<compile_context>
chip_gen: v7x
topology: tpu7x:2x2x1
jax: 0.10.2.dev20260603
libtpu: 0.0.44.dev20260713+nightly
codegen_flags: <defaults>
</compile_context>

<pallas_src>
import functools

import jax
import jax.numpy as jnp
from jax import lax
from jax.experimental import pallas as pl
from jax.experimental.pallas import tpu as pltpu
from jax.experimental.pallas import tpu_sc as plsc

N_OBS = 10000
N_Q = 2048
LATENT = 128
K = 4
BIG = 3.0e38



def _enc_body(x_ref, w1_ref, b1_ref, w2_ref, b2_ref, o_ref):
    h = jnp.maximum(
        jnp.dot(x_ref[...], w1_ref[...], preferred_element_type=jnp.float32)
        + b1_ref[...],
        0.0,
    )
    o_ref[...] = (
        jnp.dot(h, w2_ref[...], preferred_element_type=jnp.float32) + b2_ref[...]
    )


def _encode(x_obs, W1, b1, W2, b2):
    return pl.pallas_call(
        _enc_body,
        out_shape=jax.ShapeDtypeStruct((N_OBS, LATENT), jnp.float32),
    )(x_obs, W1, b1, W2, b2)


_KNN_R = 400


def _knn_body(pos_ref, post_ref, nbr_ref):
    p = pos_ref[...]
    pt = post_ref[...]
    sqr = jnp.sum(p * p, axis=1, keepdims=True)
    sqc = jnp.sum(pt * pt, axis=0, keepdims=True)
    cross = jax.lax.dot_general(
        p, pt, (((1,), (0,)), ((), ())), preferred_element_type=jnp.float32
    )
    d2 = sqr + sqc - 2.0 * cross
    i = pl.program_id(0)
    rowid = jax.lax.broadcasted_iota(jnp.int32, (_KNN_R, N_OBS), 0) + i * _KNN_R
    colid = jax.lax.broadcasted_iota(jnp.int32, (_KNN_R, N_OBS), 1)
    d2 = jnp.where(colid == rowid, BIG, d2)
    cols = []
    for _ in range(K):
        m = jnp.min(d2, axis=1, keepdims=True)
        am = jnp.min(jnp.where(d2 <= m, colid, N_OBS), axis=1, keepdims=True)
        cols.append(am)
        d2 = jnp.where(colid == am, BIG, d2)
    nbr_ref[...] = jnp.concatenate(cols, axis=1)


def _knn(pos_obs, pos_obs_t):
    return pl.pallas_call(
        _knn_body,
        grid=(N_OBS // _KNN_R,),
        in_specs=[
            pl.BlockSpec((_KNN_R, 3), lambda i: (i, 0)),
            pl.BlockSpec((3, N_OBS), lambda i: (0, 0)),
        ],
        out_specs=pl.BlockSpec((_KNN_R, K), lambda i: (i, 0)),
        out_shape=jax.ShapeDtypeStruct((N_OBS, K), jnp.int32),
    )(pos_obs, pos_obs_t)


def _gnn_body(h_ref, agg_ref, ws_ref, wn_ref, b_ref, o_ref):
    h = h_ref[...]
    z = (
        jnp.dot(h, ws_ref[...], preferred_element_type=jnp.float32)
        + jnp.dot(agg_ref[...], wn_ref[...], preferred_element_type=jnp.float32)
        + b_ref[...]
    )
    o_ref[...] = h + jnp.maximum(z, 0.0)


def _gnn_layer(h, agg, Ws, Wn, b):
    return pl.pallas_call(
        _gnn_body,
        out_shape=jax.ShapeDtypeStruct((N_OBS, LATENT), jnp.float32),
    )(h, agg, Ws, Wn, b)


def _kv_body(h_ref, pos_ref, wkh_ref, wkp_ref, bk_ref, wvh_ref, wvp_ref, bv_ref,
             k_ref, v_ref):
    h = h_ref[...]
    p = pos_ref[...]
    k_ref[...] = (
        jnp.dot(h, wkh_ref[...], preferred_element_type=jnp.float32)
        + jnp.dot(p, wkp_ref[...], preferred_element_type=jnp.float32)
        + bk_ref[...]
    )
    v_ref[...] = (
        jnp.dot(h, wvh_ref[...], preferred_element_type=jnp.float32)
        + jnp.dot(p, wvp_ref[...], preferred_element_type=jnp.float32)
        + bv_ref[...]
    )


def _kv(h, pos_obs, Wkh, Wkp, bk, Wvh, Wvp, bv):
    return pl.pallas_call(
        _kv_body,
        out_shape=(
            jax.ShapeDtypeStruct((N_OBS, LATENT), jnp.float32),
            jax.ShapeDtypeStruct((N_OBS, LATENT), jnp.float32),
        ),
    )(h, pos_obs, Wkh, Wkp, bk, Wvh, Wvp, bv)


_ATT_Q = 256


def _attn_body(pq_ref, wq_ref, bq_ref, k_ref, v_ref, post_ref, wrel_ref,
               wd1_ref, bd1_ref, wd2_ref, bd2_ref, o_ref):
    q = (
        jnp.dot(pq_ref[...], wq_ref[...], preferred_element_type=jnp.float32)
        + bq_ref[...]
    )
    logits = jax.lax.dot_general(
        q, k_ref[...], (((1,), (1,)), ((), ())), preferred_element_type=jnp.float32
    ) * jnp.float32(1.0 / (LATENT ** 0.5))
    bo = jnp.sum(post_ref[...] * wrel_ref[...], axis=0, keepdims=True)
    logits = logits - bo
    mx = jnp.max(logits, axis=1, keepdims=True)
    e = jnp.exp(logits - mx)
    s = jnp.sum(e, axis=1, keepdims=True)
    att = e / s
    hq = jnp.dot(att, v_ref[...], preferred_element_type=jnp.float32)
    hid = jnp.maximum(
        jnp.dot(hq, wd1_ref[...], preferred_element_type=jnp.float32) + bd1_ref[...],
        0.0,
    )
    o_ref[...] = (
        jnp.dot(hid, wd2_ref[...], preferred_element_type=jnp.float32) + bd2_ref[...]
    )


def _attention(pos_query, Wq, bq, k_, v_, pos_obs_t, w_rel_col, Wd1, bd1, Wd2, bd2,
               out_dim):
    return pl.pallas_call(
        _attn_body,
        grid=(N_Q // _ATT_Q,),
        in_specs=[
            pl.BlockSpec((_ATT_Q, 3), lambda i: (i, 0)),
            pl.BlockSpec((3, LATENT), lambda i: (0, 0)),
            pl.BlockSpec((1, LATENT), lambda i: (0, 0)),
            pl.BlockSpec((N_OBS, LATENT), lambda i: (0, 0)),
            pl.BlockSpec((N_OBS, LATENT), lambda i: (0, 0)),
            pl.BlockSpec((3, N_OBS), lambda i: (0, 0)),
            pl.BlockSpec((3, 1), lambda i: (0, 0)),
            pl.BlockSpec((LATENT, LATENT), lambda i: (0, 0)),
            pl.BlockSpec((1, LATENT), lambda i: (0, 0)),
            pl.BlockSpec((LATENT, out_dim), lambda i: (0, 0)),
            pl.BlockSpec((1, out_dim), lambda i: (0, 0)),
        ],
        out_specs=pl.BlockSpec((_ATT_Q, out_dim), lambda i: (i, 0)),
        out_shape=jax.ShapeDtypeStruct((N_Q, out_dim), jnp.float32),
    )(pos_query, Wq, bq, k_, v_, pos_obs_t, w_rel_col, Wd1, bd1, Wd2, bd2)



_SC_PAD_ROWS = 10240
_SC_ROWS_W = 320
_SC_CH = 32
_SC_NCH = 10


def _make_sc_gather_mean():
    mesh = plsc.VectorSubcoreMesh(core_axis_name="c", subcore_axis_name="s")

    @functools.partial(
        pl.kernel,
        mesh=mesh,
        out_type=jax.ShapeDtypeStruct((_SC_PAD_ROWS, LATENT), jnp.float32),
        scratch_types=[
            pltpu.VMEM((_SC_NCH, _SC_CH * K), jnp.int32),
            pltpu.VMEM((_SC_CH * K, LATENT), jnp.float32),
            pltpu.VMEM((_SC_CH, LATENT), jnp.float32),
            pltpu.SemaphoreType.DMA,
        ],
    )
    def sc_gather_mean(h_hbm, idx_hbm, out_hbm, idx_v, rows_v, agg_v, sem):
        wid = lax.axis_index("c") * 16 + lax.axis_index("s")
        pltpu.sync_copy(idx_hbm.at[wid], idx_v)

        def chunk(c, carry):
            pltpu.async_copy(h_hbm.at[idx_v.at[c]], rows_v, sem).wait()

            def row(r, carry2):
                for vv in range(LATENT // 16):
                    sl = pl.ds(vv * 16, 16)
                    acc = (rows_v[4 * r, sl] + rows_v[4 * r + 1, sl]) + (
                        rows_v[4 * r + 2, sl] + rows_v[4 * r + 3, sl]
                    )
                    agg_v[r, sl] = acc * 0.25
                return carry2

            lax.fori_loop(0, _SC_CH, row, 0)
            pltpu.sync_copy(
                agg_v, out_hbm.at[pl.ds(wid * _SC_ROWS_W + c * _SC_CH, _SC_CH)]
            )
            return carry

        lax.fori_loop(0, _SC_NCH, chunk, 0)

    return sc_gather_mean


_sc_gather_mean_cached = functools.cache(_make_sc_gather_mean)


def _gather_mean(h, idx_mat):
    agg = _sc_gather_mean_cached()(h, idx_mat)
    return agg[:N_OBS]




def kernel(x_obs, pos_obs, pos_query, W_enc1, b_enc1, W_enc2, b_enc2,
           W_gs0, W_gn0, b_g0, W_gs1, W_gn1, b_g1,
           W_q, b_q, W_k, b_k, W_v, b_v, w_rel,
           W_dec1, b_dec1, W_dec2, b_dec2):
    out_dim = W_dec2.shape[1]
    b_enc1 = b_enc1.reshape(1, -1)
    b_enc2 = b_enc2.reshape(1, -1)
    b_g0 = b_g0.reshape(1, -1)
    b_g1 = b_g1.reshape(1, -1)
    b_q = b_q.reshape(1, -1)
    b_k = b_k.reshape(1, -1)
    b_v = b_v.reshape(1, -1)
    b_dec1 = b_dec1.reshape(1, -1)
    b_dec2 = b_dec2.reshape(1, -1)
    pos_obs_t = pos_obs.T
    w_rel_col = w_rel.reshape(-1, 1)
    Wkh, Wkp = W_k[:LATENT], W_k[LATENT:]
    Wvh, Wvp = W_v[:LATENT], W_v[LATENT:]

    h0 = _encode(x_obs, W_enc1, b_enc1, W_enc2, b_enc2)
    nbr = _knn(pos_obs, pos_obs_t)

    idx_flat = nbr.reshape(-1)
    idx_flat = jnp.pad(idx_flat, (0, _SC_PAD_ROWS * K - N_OBS * K))
    idx_mat = idx_flat.reshape(32, _SC_NCH, _SC_CH * K)

    agg0 = _gather_mean(h0, idx_mat)
    h1 = _gnn_layer(h0, agg0, W_gs0, W_gn0, b_g0)
    agg1 = _gather_mean(h1, idx_mat)
    h2 = _gnn_layer(h1, agg1, W_gs1, W_gn1, b_g1)

    k_, v_ = _kv(h2, pos_obs, Wkh, Wkp, b_k, Wvh, Wvp, b_v)
    out = _attention(pos_query, W_q, b_q, k_, v_, pos_obs_t, w_rel_col,
                     W_dec1, b_dec1, W_dec2, b_dec2, out_dim)
    return out

# --- scband reference (transcript-rebuilt; emitter-appended) ---
"""Pipeline reference for scband-graph-attention-neural-operator-35579509080640 (READ-ONLY COPY).

The authoritative reference and input builder live on the scoring server;
editing this copy changes nothing except your own understanding.
"""

import jax, jax.numpy as jnp
import numpy as np

N_OBS = 10000
N_Q = 2048
IN_DIM = 16
POS_DIM = 3
LATENT = 128
OUT_DIM = 4
K = 4


def setup_inputs(seed: int = 0) -> dict:
    key = jax.random.key(seed)
    ks = jax.random.split(key, 24)
    s = 0.05
    inp = {}
    inp['x_obs'] = jax.random.normal(ks[0], (N_OBS, IN_DIM), dtype=jnp.float32)
    inp['pos_obs'] = jax.random.uniform(ks[1], (N_OBS, POS_DIM), dtype=jnp.float32)
    inp['pos_query'] = jax.random.uniform(ks[2], (N_Q, POS_DIM), dtype=jnp.float32)
    # GANOEncoder params (2-layer MLP, ReLU)
    inp['W_enc1'] = jax.random.normal(ks[3], (IN_DIM, LATENT), dtype=jnp.float32) * s
    inp['b_enc1'] = jnp.zeros((LATENT,), dtype=jnp.float32)
    inp['W_enc2'] = jax.random.normal(ks[4], (LATENT, LATENT), dtype=jnp.float32) * s
    inp['b_enc2'] = jnp.zeros((LATENT,), dtype=jnp.float32)
    # GNN params (2 message-passing layers, k=4 kNN graph)
    inp['W_gs0'] = jax.random.normal(ks[5], (LATENT, LATENT), dtype=jnp.float32) * s
    inp['W_gn0'] = jax.random.normal(ks[6], (LATENT, LATENT), dtype=jnp.float32) * s
    inp['b_g0'] = jnp.zeros((LATENT,), dtype=jnp.float32)
    inp['W_gs1'] = jax.random.normal(ks[7], (LATENT, LATENT), dtype=jnp.float32) * s
    inp['W_gn1'] = jax.random.normal(ks[8], (LATENT, LATENT), dtype=jnp.float32) * s
    inp['b_g1'] = jnp.zeros((LATENT,), dtype=jnp.float32)
    # GANOKernel params (cross-attention, distance encoding q_pos/o_pos/rel)
    inp['W_q'] = jax.random.normal(ks[9], (POS_DIM, LATENT), dtype=jnp.float32) * s
    inp['b_q'] = jnp.zeros((LATENT,), dtype=jnp.float32)
    inp['W_k'] = jax.random.normal(ks[10], (LATENT + POS_DIM, LATENT), dtype=jnp.float32) * s
    inp['b_k'] = jnp.zeros((LATENT,), dtype=jnp.float32)
    inp['W_v'] = jax.random.normal(ks[11], (LATENT + POS_DIM, LATENT), dtype=jnp.float32) * s
    inp['b_v'] = jnp.zeros((LATENT,), dtype=jnp.float32)
    inp['w_rel'] = jax.random.normal(ks[12], (POS_DIM,), dtype=jnp.float32) * s
    # GANODecoder params
    inp['W_dec1'] = jax.random.normal(ks[13], (LATENT, LATENT), dtype=jnp.float32) * s
    inp['b_dec1'] = jnp.zeros((LATENT,), dtype=jnp.float32)
    inp['W_dec2'] = jax.random.normal(ks[14], (LATENT, OUT_DIM), dtype=jnp.float32) * s
    inp['b_dec2'] = jnp.zeros((OUT_DIM,), dtype=jnp.float32)
    return inp


def reference(x_obs, pos_obs, pos_query,
              W_enc1, b_enc1, W_enc2, b_enc2,
              W_gs0, W_gn0, b_g0, W_gs1, W_gn1, b_g1,
              W_q, b_q, W_k, b_k, W_v, b_v, w_rel,
              W_dec1, b_dec1, W_dec2, b_dec2):
    # obs encoder
    h = jax.nn.relu(x_obs @ W_enc1 + b_enc1)
    h = h @ W_enc2 + b_enc2
    # kNN graph over pos_obs (k=4)
    sq = jnp.sum(pos_obs * pos_obs, axis=1)
    d2 = sq[:, None] + sq[None, :] - 2.0 * (pos_obs @ pos_obs.T)
    _, nbr = jax.lax.top_k(-d2, K + 1)
    nbr = nbr[:, 1:]  # drop self, [N_OBS, K]
    # GNN: 2 message-passing layers with mean aggregation + residual
    for Ws, Wn, b in ((W_gs0, W_gn0, b_g0), (W_gs1, W_gn1, b_g1)):
        h_nbr = jnp.take(h, nbr.reshape(-1), axis=0).reshape(N_OBS, K, LATENT)
        agg = jnp.mean(h_nbr, axis=1)
        h = h + jax.nn.relu(h @ Ws + agg @ Wn + b)
    # GANOKernel: cross-attention from queries (positions only) to obs
    q = pos_query @ W_q + b_q
    kv_in = jnp.concatenate([h, pos_obs], axis=1)
    k_ = kv_in @ W_k + b_k
    v_ = kv_in @ W_v + b_v
    logits = (q @ k_.T) / jnp.sqrt(jnp.float32(LATENT))
    rel = pos_query[:, None, :] - pos_obs[None, :, :]
    logits = logits + rel @ w_rel
    attn = jax.nn.softmax(logits, axis=1)
    h_query = attn @ v_
    # decoder
    out = jax.nn.relu(h_query @ W_dec1 + b_dec1) @ W_dec2 + b_dec2
    return out

if __name__ == "__main__":
    import jax
    _d = setup_inputs()
    print(jax.jit(kernel)(*tuple(_d.values())))

</pallas_src>

<mosaic_0001>
#map = affine_map<(d0, d1) -> (0, 0)>
#map1 = affine_map<(d0, d1) -> (0, 0, 0)>
module attributes {stable_mosaic.version = 14 : i64} {
  func.func @sc_gather_mean(%arg0: i32, %arg1: i32, %arg2: memref<10000x128xf32, #tpu.memory_space<hbm>>, %arg3: memref<32x10x128xi32, #tpu.memory_space<hbm>>, %arg4: memref<10240x128xf32, #tpu.memory_space<hbm>>, %arg5: memref<10x128xi32, #tpu.memory_space<vmem>>, %arg6: memref<128x128xf32, #tpu.memory_space<vmem>>, %arg7: memref<32x128xf32, #tpu.memory_space<vmem>>, %arg8: memref<!tpu.dma_semaphore, #tpu.memory_space<semaphore_mem>>) attributes {dimension_semantics = [#tpu.dimension_semantics<core_parallel>, #tpu.dimension_semantics<subcore_parallel>], iteration_bounds = array<i64: 2, 16>, scalar_prefetch = 0 : i64, scratch_operands = 4 : i64, tpu.core_type = #tpu.core_type<sc_vector_subcore>, window_params = [{transform_indices = #map}, {transform_indices = #map1}, {transform_indices = #map}]} {
    %mul3A = arith.constant 16 : i32
    %mul3A_0 = arith.muli %arg0, %mul3A : i32
    %add3A = arith.addi %mul3A_0, %arg1 : i32
    "tpu.region"() ({
      %run_scoped3A = tpu.sem_alloc : memref<!tpu.dma_semaphore, #tpu.memory_space<semaphore_mem>>
      %dma_start3A = arith.constant 0 : i32
      %dma_start3A_6 = arith.constant 0 : i32
      %dma_start3A_7 = tpu.memref_slice %arg3[%add3A, %dma_start3A, %dma_start3A_6] : memref<32x10x128xi32, #tpu.memory_space<hbm>> -> memref<1x10x128xi32, #tpu.memory_space<hbm>>
      %dma_start3A_8 = tpu.memref_squeeze %dma_start3A_7 : memref<1x10x128xi32, #tpu.memory_space<hbm>> -> memref<10x128xi32, #tpu.memory_space<hbm>>
      %dma_start3A_9 = arith.constant 0 : i32
      %dma_start3A_10 = arith.constant 0 : i32
      %dma_start3A_11 = tpu.memref_slice %arg3[%add3A, %dma_start3A_9, %dma_start3A_10] : memref<32x10x128xi32, #tpu.memory_space<hbm>> -> memref<1x10x128xi32, #tpu.memory_space<hbm>>
      %dma_start3A_12 = tpu.memref_squeeze %dma_start3A_11 : memref<1x10x128xi32, #tpu.memory_space<hbm>> -> memref<10x128xi32, #tpu.memory_space<hbm>>
      tpu.enqueue_dma source(%dma_start3A_12 : memref<10x128xi32, #tpu.memory_space<hbm>>) target(%arg5 : memref<10x128xi32, #tpu.memory_space<vmem>>) target_semaphore(%run_scoped3A : memref<!tpu.dma_semaphore, #tpu.memory_space<semaphore_mem>>)
      %dma_wait3A = arith.constant 0 : i32
      %dma_wait3A_13 = arith.constant 0 : i32
      %dma_wait3A_14 = tpu.memref_slice %arg3[%add3A, %dma_wait3A, %dma_wait3A_13] : memref<32x10x128xi32, #tpu.memory_space<hbm>> -> memref<1x10x128xi32, #tpu.memory_space<hbm>>
      %dma_wait3A_15 = tpu.memref_squeeze %dma_wait3A_14 : memref<1x10x128xi32, #tpu.memory_space<hbm>> -> memref<10x128xi32, #tpu.memory_space<hbm>>
      %dma_wait3A_16 = arith.constant 0 : i32
      %dma_wait3A_17 = arith.constant 0 : i32
      %dma_wait3A_18 = tpu.memref_slice %arg3[%add3A, %dma_wait3A_16, %dma_wait3A_17] : memref<32x10x128xi32, #tpu.memory_space<hbm>> -> memref<1x10x128xi32, #tpu.memory_space<hbm>>
      %dma_wait3A_19 = tpu.memref_squeeze %dma_wait3A_18 : memref<1x10x128xi32, #tpu.memory_space<hbm>> -> memref<10x128xi32, #tpu.memory_space<hbm>>
      tpu.wait_dma2 semaphore(%run_scoped3A : memref<!tpu.dma_semaphore, #tpu.memory_space<semaphore_mem>>) src(%dma_wait3A_19 : memref<10x128xi32, #tpu.memory_space<hbm>>) dst(%arg5 : memref<10x128xi32, #tpu.memory_space<vmem>>)
      tpu.yield
    }) : () -> ()
    %scan3A = arith.constant 0 : i32
    %scan3A_1 = arith.constant 0 : i32
    %scan3A_2 = arith.constant 10 : i32
    %scan3A_3 = arith.addi %scan3A_1, %scan3A_2 : i32
    %scan3A_4 = arith.constant 1 : i32
    scf.for %scan3A_6 = %scan3A_1 to %scan3A_3 step %scan3A_4  : i32 {
      %dma_start3A = arith.constant 0 : i32
      %dma_start3A_7 = tpu.memref_slice %arg5[%scan3A_6, %dma_start3A] : memref<10x128xi32, #tpu.memory_space<vmem>> -> memref<1x128xi32, #tpu.memory_space<vmem>>
      %dma_start3A_8 = tpu.memref_squeeze %dma_start3A_7 : memref<1x128xi32, #tpu.memory_space<vmem>> -> memref<128xi32, #tpu.memory_space<vmem>>
      %dma_start3A_9 = arith.constant 0 : i32
      %dma_start3A_10 = arith.constant 0 : i32
      %dma_start3A_11 = tpu.memref_slice %arg2[%dma_start3A_9, %dma_start3A_10] : memref<10000x128xf32, #tpu.memory_space<hbm>> -> memref<10000x128xf32, #tpu.memory_space<hbm>>
      tpu.enqueue_indirect_dma source(%dma_start3A_11 : memref<10000x128xf32, #tpu.memory_space<hbm>>) target(%arg6 : memref<128x128xf32, #tpu.memory_space<vmem>>) offsets(%dma_start3A_8 : memref<128xi32, #tpu.memory_space<vmem>>) semaphore(%arg8 : memref<!tpu.dma_semaphore, #tpu.memory_space<semaphore_mem>>)
      %dma_wait3A = arith.constant 0 : i32
      %dma_wait3A_12 = tpu.memref_slice %arg5[%scan3A_6, %dma_wait3A] : memref<10x128xi32, #tpu.memory_space<vmem>> -> memref<1x128xi32, #tpu.memory_space<vmem>>
      %dma_wait3A_13 = tpu.memref_squeeze %dma_wait3A_12 : memref<1x128xi32, #tpu.memory_space<vmem>> -> memref<128xi32, #tpu.memory_space<vmem>>
      %dma_wait3A_14 = arith.constant 0 : i32
      %dma_wait3A_15 = arith.constant 0 : i32
      %dma_wait3A_16 = tpu.memref_slice %arg2[%dma_wait3A_14, %dma_wait3A_15] : memref<10000x128xf32, #tpu.memory_space<hbm>> -> memref<10000x128xf32, #tpu.memory_space<hbm>>
      tpu.wait_indirect_dma semaphore(%arg8 : memref<!tpu.dma_semaphore, #tpu.memory_space<semaphore_mem>>) src(%dma_wait3A_16 : memref<10000x128xf32, #tpu.memory_space<hbm>>) dst(%arg6 : memref<128x128xf32, #tpu.memory_space<vmem>>)
      %scan3A_17 = arith.constant 0 : i32
      %scan3A_18 = arith.constant 0 : i32
      %scan3A_19 = arith.constant 32 : i32
      %scan3A_20 = arith.addi %scan3A_18, %scan3A_19 : i32
      %scan3A_21 = arith.constant 1 : i32
      scf.for %scan3A_28 = %scan3A_18 to %scan3A_20 step %scan3A_21  : i32 {
        %mul3A_29 = arith.constant 4 : i32
        %mul3A_30 = arith.muli %mul3A_29, %scan3A_28 : i32
        %get3A = arith.index_cast %mul3A_30 : i32 to index
        %get3A_31 = arith.constant 0 : index
        %get3A_32 = tpu.vector_load %arg6[%get3A, %get3A_31] {strides = array<i32>} : memref<128x128xf32, #tpu.memory_space<vmem>>, vector<1x16xf32>,
        %get3A_33 = vector.shape_cast %get3A_32 : vector<1x16xf32> to vector<16xf32>
        %mul3A_34 = arith.constant 4 : i32
        %mul3A_35 = arith.muli %mul3A_34, %scan3A_28 : i32
        %add3A_36 = arith.constant 1 : i32
        %add3A_37 = arith.addi %mul3A_35, %add3A_36 : i32
        %get3A_38 = arith.index_cast %add3A_37 : i32 to index
        %get3A_39 = arith.constant 0 : index
        %get3A_40 = tpu.vector_load %arg6[%get3A_38, %get3A_39] {strides = array<i32>} : memref<128x128xf32, #tpu.memory_space<vmem>>, vector<1x16xf32>,
        %get3A_41 = vector.shape_cast %get3A_40 : vector<1x16xf32> to vector<16xf32>
        %add3A_42 = arith.addf %get3A_33, %get3A_41 : vector<16xf32>
        %mul3A_43 = arith.constant 4 : i32
        %mul3A_44 = arith.muli %mul3A_43, %scan3A_28 : i32
        %add3A_45 = arith.constant 2 : i32
        %add3A_46 = arith.addi %mul3A_44, %add3A_45 : i32
        %get3A_47 = arith.index_cast %add3A_46 : i32 to index
        %get3A_48 = arith.constant 0 : index
        %get3A_49 = tpu.vector_load %arg6[%get3A_47, %get3A_48] {strides = array<i32>} : memref<128x128xf32, #tpu.memory_space<vmem>>, vector<1x16xf32>,
        %get3A_50 = vector.shape_cast %get3A_49 : vector<1x16xf32> to vector<16xf32>
        %mul3A_51 = arith.constant 4 : i32
        %mul3A_52 = arith.muli %mul3A_51, %scan3A_28 : i32
        %add3A_53 = arith.constant 3 : i32
        %add3A_54 = arith.addi %mul3A_52, %add3A_53 : i32
        %get3A_55 = arith.index_cast %add3A_54 : i32 to index
        %get3A_56 = arith.constant 0 : index
        %get3A_57 = tpu.vector_load %arg6[%get3A_55, %get3A_56] {strides = array<i32>} : memref<128x128xf32, #tpu.memory_space<vmem>>, vector<1x16xf32>,
        %get3A_58 = vector.shape_cast %get3A_57 : vector<1x16xf32> to vector<16xf32>
        %add3A_59 = arith.addf %get3A_50, %get3A_58 : vector<16xf32>
        %add3A_60 = arith.addf %add3A_42, %add3A_59 : vector<16xf32>
        %mul3A_61 = arith.constant 2.500000e-01 : f32
        %mul3A_62 = vector.broadcast %mul3A_61 : f32 to vector<16xf32>
        %mul3A_63 = arith.mulf %add3A_60, %mul3A_62 : vector<16xf32>
        %swap3A = arith.index_cast %scan3A_28 : i32 to index
        %swap3A_64 = arith.constant 0 : index
        %swap3A_65 = tpu.vector_load %arg7[%swap3A, %swap3A_64] {strides = array<i32>} : memref<32x128xf32, #tpu.memory_space<vmem>>, vector<1x16xf32>,
        %swap3A_66 = vector.shape_cast %swap3A_65 : vector<1x16xf32> to vector<16xf32>
        %swap3A_67 = vector.shape_cast %mul3A_63 : vector<16xf32> to vector<1x16xf32>
        tpu.vector_store %arg7[%swap3A, %swap3A_64], %swap3A_67 {strides = array<i32>} : memref<32x128xf32, #tpu.memory_space<vmem>>, vector<1x16xf32>,
        %mul3A_68 = arith.constant 4 : i32
        %mul3A_69 = arith.muli %mul3A_68, %scan3A_28 : i32
        %get3A_70 = arith.index_cast %mul3A_69 : i32 to index
        %get3A_71 = arith.constant 16 : index
        %get3A_72 = tpu.vector_load %arg6[%get3A_70, %get3A_71] {strides = array<i32>} : memref<128x128xf32, #tpu.memory_space<vmem>>, vector<1x16xf32>,
        %get3A_73 = vector.shape_cast %get3A_72 : vector<1x16xf32> to vector<16xf32>
        %mul3A_74 = arith.constant 4 : i32
        %mul3A_75 = arith.muli %mul3A_74, %scan3A_28 : i32
        %add3A_76 = arith.constant 1 : i32
        %add3A_77 = arith.addi %mul3A_75, %add3A_76 : i32
        %get3A_78 = arith.index_cast %add3A_77 : i32 to index
        %get3A_79 = arith.constant 16 : index
        %get3A_80 = tpu.vector_load %arg6[%get3A_78, %get3A_79] {strides = array<i32>} : memref<128x128xf32, #tpu.memory_space<vmem>>, vector<1x16xf32>,
        %get3A_81 = vector.shape_cast %get3A_80 : vector<1x16xf32> to vector<16xf32>
        %add3A_82 = arith.addf %get3A_73, %get3A_81 : vector<16xf32>
        %mul3A_83 = arith.constant 4 : i32
        %mul3A_84 = arith.muli %mul3A_83, %scan3A_28 : i32
        %add3A_85 = arith.constant 2 : i32
        %add3A_86 = arith.addi %mul3A_84, %add3A_85 : i32
        %get3A_87 = arith.index_cast %add3A_86 : i32 to index
        %get3A_88 = arith.constant 16 : index
        %get3A_89 = tpu.vector_load %arg6[%get3A_87, %get3A_88] {strides = array<i32>} : memref<128x128xf32, #tpu.memory_space<vmem>>, vector<1x16xf32>,
        %get3A_90 = vector.shape_cast %get3A_89 : vector<1x16xf32> to vector<16xf32>
        %mul3A_91 = arith.constant 4 : i32
        %mul3A_92 = arith.muli %mul3A_91, %scan3A_28 : i32
        %add3A_93 = arith.constant 3 : i32
        %add3A_94 = arith.addi %mul3A_92, %add3A_93 : i32
        %get3A_95 = arith.index_cast %add3A_94 : i32 to index
        %get3A_96 = arith.constant 16 : index
        %get3A_97 = tpu.vector_load %arg6[%get3A_95, %get3A_96] {strides = array<i32>} : memref<128x128xf32, #tpu.memory_space<vmem>>, vector<1x16xf32>,
        %get3A_98 = vector.shape_cast %get3A_97 : vector<1x16xf32> to vector<16xf32>
        %add3A_99 = arith.addf %get3A_90, %get3A_98 : vector<16xf32>
        %add3A_100 = arith.addf %add3A_82, %add3A_99 : vector<16xf32>
        %mul3A_101 = arith.constant 2.500000e-01 : f32
        %mul3A_102 = vector.broadcast %mul3A_101 : f32 to vector<16xf32>
        %mul3A_103 = arith.mulf %add3A_100, %mul3A_102 : vector<16xf32>
        %swap3A_104 = arith.index_cast %scan3A_28 : i32 to index
        %swap3A_105 = arith.constant 16 : index
        %swap3A_106 = tpu.vector_load %arg7[%swap3A_104, %swap3A_105] {strides = array<i32>} : memref<32x128xf32, #tpu.memory_space<vmem>>, vector<1x16xf32>,
        %swap3A_107 = vector.shape_cast %swap3A_106 : vector<1x16xf32> to vector<16xf32>
        %swap3A_108 = vector.shape_cast %mul3A_103 : vector<16xf32> to vector<1x16xf32>
        tpu.vector_store %arg7[%swap3A_104, %swap3A_105], %swap3A_108 {strides = array<i32>} : memref<32x128xf32, #tpu.memory_space<vmem>>, vector<1x16xf32>,
        %mul3A_109 = arith.constant 4 : i32
        %mul3A_110 = arith.muli %mul3A_109, %scan3A_28 : i32
        %get3A_111 = arith.index_cast %mul3A_110 : i32 to index
        %get3A_112 = arith.constant 32 : index
        %get3A_113 = tpu.vector_load %arg6[%get3A_111, %get3A_112] {strides = array<i32>} : memref<128x128xf32, #tpu.memory_space<vmem>>, vector<1x16xf32>,
        %get3A_114 = vector.shape_cast %get3A_113 : vector<1x16xf32> to vector<16xf32>
        %mul3A_115 = arith.constant 4 : i32
        %mul3A_116 = arith.muli %mul3A_115, %scan3A_28 : i32
        %add3A_117 = arith.constant 1 : i32
        %add3A_118 = arith.addi %mul3A_116, %add3A_117 : i32
        %get3A_119 = arith.index_cast %add3A_118 : i32 to index
        %get3A_120 = arith.constant 32 : index
        %get3A_121 = tpu.vector_load %arg6[%get3A_119, %get3A_120] {strides = array<i32>} : memref<128x128xf32, #tpu.memory_space<vmem>>, vector<1x16xf32>,
        %get3A_122 = vector.shape_cast %get3A_121 : vector<1x16xf32> to vector<16xf32>
        %add3A_123 = arith.addf %get3A_114, %get3A_122 : vector<16xf32>
        %mul3A_124 = arith.constant 4 : i32
        %mul3A_125 = arith.muli %mul3A_124, %scan3A_28 : i32
        %add3A_126 = arith.constant 2 : i32
        %add3A_127 = arith.addi %mul3A_125, %add3A_126 : i32
        %get3A_128 = arith.index_cast %add3A_127 : i32 to index
        %get3A_129 = arith.constant 32 : index
        %get3A_130 = tpu.vector_load %arg6[%get3A_128, %get3A_129] {strides = array<i32>} : memref<128x128xf32, #tpu.memory_space<vmem>>, vector<1x16xf32>,
        %get3A_131 = vector.shape_cast %get3A_130 : vector<1x16xf32> to vector<16xf32>
        %mul3A_132 = arith.constant 4 : i32
        %mul3A_133 = arith.muli %mul3A_132, %scan3A_28 : i32
        %add3A_134 = arith.constant 3 : i32
        %add3A_135 = arith.addi %mul3A_133, %add3A_134 : i32
        %get3A_136 = arith.index_cast %add3A_135 : i32 to index
        %get3A_137 = arith.constant 32 : index
        %get3A_138 = tpu.vector_load %arg6[%get3A_136, %get3A_137] {strides = array<i32>} : memref<128x128xf32, #tpu.memory_space<vmem>>, vector<1x16xf32>,
        %get3A_139 = vector.shape_cast %get3A_138 : vector<1x16xf32> to vector<16xf32>
        %add3A_140 = arith.addf %get3A_131, %get3A_139 : vector<16xf32>
        %add3A_141 = arith.addf %add3A_123, %add3A_140 : vector<16xf32>
        %mul3A_142 = arith.constant 2.500000e-01 : f32
        %mul3A_143 = vector.broadcast %mul3A_142 : f32 to vector<16xf32>
        %mul3A_144 = arith.mulf %add3A_141, %mul3A_143 : vector<16xf32>
        %swap3A_145 = arith.index_cast %scan3A_28 : i32 to index
        %swap3A_146 = arith.constant 32 : index
        %swap3A_147 = tpu.vector_load %arg7[%swap3A_145, %swap3A_146] {strides = array<i32>} : memref<32x128xf32, #tpu.memory_space<vmem>>, vector<1x16xf32>,
        %swap3A_148 = vector.shape_cast %swap3A_147 : vector<1x16xf32> to vector<16xf32>
        %swap3A_149 = vector.shape_cast %mul3A_144 : vector<16xf32> to vector<1x16xf32>
        tpu.vector_store %arg7[%swap3A_145, %swap3A_146], %swap3A_149 {strides = array<i32>} : memref<32x128xf32, #tpu.memory_space<vmem>>, vector<1x16xf32>,
        %mul3A_150 = arith.constant 4 : i32
        %mul3A_151 = arith.muli %mul3A_150, %scan3A_28 : i32
        %get3A_152 = arith.index_cast %mul3A_151 : i32 to index
        %get3A_153 = arith.constant 48 : index
        %get3A_154 = tpu.vector_load %arg6[%get3A_152, %get3A_153] {strides = array<i32>} : memref<128x128xf32, #tpu.memory_space<vmem>>, vector<1x16xf32>,
        %get3A_155 = vector.shape_cast %get3A_154 : vector<1x16xf32> to vector<16xf32>
        %mul3A_156 = arith.constant 4 : i32
        %mul3A_157 = arith.muli %mul3A_156, %scan3A_28 : i32
        %add3A_158 = arith.constant 1 : i32
        %add3A_159 = arith.addi %mul3A_157, %add3A_158 : i32
        %get3A_160 = arith.index_cast %add3A_159 : i32 to index
        %get3A_161 = arith.constant 48 : index
        %get3A_162 = tpu.vector_load %arg6[%get3A_160, %get3A_161] {strides = array<i32>} : memref<128x128xf32, #tpu.memory_space<vmem>>, vector<1x16xf32>,
        %get3A_163 = vector.shape_cast %get3A_162 : vector<1x16xf32> to vector<16xf32>
        %add3A_164 = arith.addf %get3A_155, %get3A_163 : vector<16xf32>
        %mul3A_165 = arith.constant 4 : i32
        %mul3A_166 = arith.muli %mul3A_165, %scan3A_28 : i32
        %add3A_167 = arith.constant 2 : i32
        %add3A_168 = arith.addi %mul3A_166, %add3A_167 : i32
        %get3A_169 = arith.index_cast %add3A_168 : i32 to index
        %get3A_170 = arith.constant 48 : index
        %get3A_171 = tpu.vector_load %arg6[%get3A_169, %get3A_170] {strides = array<i32>} : memref<128x128xf32, #tpu.memory_space<vmem>>, vector<1x16xf32>,
        %get3A_172 = vector.shape_cast %get3A_171 : vector<1x16xf32> to vector<16xf32>
        %mul3A_173 = arith.constant 4 : i32
        %mul3A_174 = arith.muli %mul3A_173, %scan3A_28 : i32
        %add3A_175 = arith.constant 3 : i32
        %add3A_176 = arith.addi %mul3A_174, %add3A_175 : i32
        %get3A_177 = arith.index_cast %add3A_176 : i32 to index
        %get3A_178 = arith.constant 48 : index
        %get3A_179 = tpu.vector_load %arg6[%get3A_177, %get3A_178] {strides = array<i32>} : memref<128x128xf32, #tpu.memory_space<vmem>>, vector<1x16xf32>,
        %get3A_180 = vector.shape_cast %get3A_179 : vector<1x16xf32> to vector<16xf32>
        %add3A_181 = arith.addf %get3A_172, %get3A_180 : vector<16xf32>
        %add3A_182 = arith.addf %add3A_164, %add3A_181 : vector<16xf32>
        %mul3A_183 = arith.constant 2.500000e-01 : f32
        %mul3A_184 = vector.broadcast %mul3A_183 : f32 to vector<16xf32>
        %mul3A_185 = arith.mulf %add3A_182, %mul3A_184 : vector<16xf32>
        %swap3A_186 = arith.index_cast %scan3A_28 : i32 to index
        %swap3A_187 = arith.constant 48 : index
        %swap3A_188 = tpu.vector_load %arg7[%swap3A_186, %swap3A_187] {strides = array<i32>} : memref<32x128xf32, #tpu.memory_space<vmem>>, vector<1x16xf32>,
        %swap3A_189 = vector.shape_cast %swap3A_188 : vector<1x16xf32> to vector<16xf32>
        %swap3A_190 = vector.shape_cast %mul3A_185 : vector<16xf32> to vector<1x16xf32>
        tpu.vector_store %arg7[%swap3A_186, %swap3A_187], %swap3A_190 {strides = array<i32>} : memref<32x128xf32, #tpu.memory_space<vmem>>, vector<1x16xf32>,
        %mul3A_191 = arith.constant 4 : i32
        %mul3A_192 = arith.muli %mul3A_191, %scan3A_28 : i32
        %get3A_193 = arith.index_cast %mul3A_192 : i32 to index
        %get3A_194 = arith.constant 64 : index
        %get3A_195 = tpu.vector_load %arg6[%get3A_193, %get3A_194] {strides = array<i32>} : memref<128x128xf32, #tpu.memory_space<vmem>>, vector<1x16xf32>,
        %get3A_196 = vector.shape_cast %get3A_195 : vector<1x16xf32> to vector<16xf32>
        %mul3A_197 = arith.constant 4 : i32
        %mul3A_198 = arith.muli %mul3A_197, %scan3A_28 : i32
        %add3A_199 = arith.constant 1 : i32
        %add3A_200 = arith.addi %mul3A_198, %add3A_199 : i32
        %get3A_201 = arith.index_cast %add3A_200 : i32 to index
        %get3A_202 = arith.constant 64 : index
        %get3A_203 = tpu.vector_load %arg6[%get3A_201, %get3A_202] {strides = array<i32>} : memref<128x128xf32, #tpu.memory_space<vmem>>, vector<1x16xf32>,
        %get3A_204 = vector.shape_cast %get3A_203 : vector<1x16xf32> to vector<16xf32>
        %add3A_205 = arith.addf %get3A_196, %get3A_204 : vector<16xf32>
        %mul3A_206 = arith.constant 4 : i32
        %mul3A_207 = arith.muli %mul3A_206, %scan3A_28 : i32
        %add3A_208 = arith.constant 2 : i32
        %add3A_209 = arith.addi %mul3A_207, %add3A_208 : i32
        %get3A_210 = arith.index_cast %add3A_209 : i32 to index
        %get3A_211 = arith.constant 64 : index
        %get3A_212 = tpu.vector_load %arg6[%get3A_210, %get3A_211] {strides = array<i32>} : memref<128x128xf32, #tpu.memory_space<vmem>>, vector<1x16xf32>,
        %get3A_213 = vector.shape_cast %get3A_212 : vector<1x16xf32> to vector<16xf32>
        %mul3A_214 = arith.constant 4 : i32
        %mul3A_215 = arith.muli %mul3A_214, %scan3A_28 : i32
        %add3A_216 = arith.constant 3 : i32
        %add3A_217 = arith.addi %mul3A_215, %add3A_216 : i32
        %get3A_218 = arith.index_cast %add3A_217 : i32 to index
        %get3A_219 = arith.constant 64 : index
        %get3A_220 = tpu.vector_load %arg6[%get3A_218, %get3A_219] {strides = array<i32>} : memref<128x128xf32, #tpu.memory_space<vmem>>, vector<1x16xf32>,
        %get3A_221 = vector.shape_cast %get3A_220 : vector<1x16xf32> to vector<16xf32>
        %add3A_222 = arith.addf %get3A_213, %get3A_221 : vector<16xf32>
        %add3A_223 = arith.addf %add3A_205, %add3A_222 : vector<16xf32>
        %mul3A_224 = arith.constant 2.500000e-01 : f32
        %mul3A_225 = vector.broadcast %mul3A_224 : f32 to vector<16xf32>
        %mul3A_226 = arith.mulf %add3A_223, %mul3A_225 : vector<16xf32>
        %swap3A_227 = arith.index_cast %scan3A_28 : i32 to index
        %swap3A_228 = arith.constant 64 : index
        %swap3A_229 = tpu.vector_load %arg7[%swap3A_227, %swap3A_228] {strides = array<i32>} : memref<32x128xf32, #tpu.memory_space<vmem>>, vector<1x16xf32>,
        %swap3A_230 = vector.shape_cast %swap3A_229 : vector<1x16xf32> to vector<16xf32>
        %swap3A_231 = vector.shape_cast %mul3A_226 : vector<16xf32> to vector<1x16xf32>
        tpu.vector_store %arg7[%swap3A_227, %swap3A_228], %swap3A_231 {strides = array<i32>} : memref<32x128xf32, #tpu.memory_space<vmem>>, vector<1x16xf32>,
        %mul3A_232 = arith.constant 4 : i32
        %mul3A_233 = arith.muli %mul3A_232, %scan3A_28 : i32
        %get3A_234 = arith.index_cast %mul3A_233 : i32 to index
        %get3A_235 = arith.constant 80 : index
        %get3A_236 = tpu.vector_load %arg6[%get3A_234, %get3A_235] {strides = array<i32>} : memref<128x128xf32, #tpu.memory_space<vmem>>, vector<1x16xf32>,
        %get3A_237 = vector.shape_cast %get3A_236 : vector<1x16xf32> to vector<16xf32>
        %mul3A_238 = arith.constant 4 : i32
        %mul3A_239 = arith.muli %mul3A_238, %scan3A_28 : i32
        %add3A_240 = arith.constant 1 : i32
        %add3A_241 = arith.addi %mul3A_239, %add3A_240 : i32
        %get3A_242 = arith.index_cast %add3A_241 : i32 to index
        %get3A_243 = arith.constant 80 : index
        %get3A_244 = tpu.vector_load %arg6[%get3A_242, %get3A_243] {strides = array<i32>} : memref<128x128xf32, #tpu.memory_space<vmem>>, vector<1x16xf32>,
        %get3A_245 = vector.shape_cast %get3A_244 : vector<1x16xf32> to vector<16xf32>
        %add3A_246 = arith.addf %get3A_237, %get3A_245 : vector<16xf32>
        %mul3A_247 = arith.constant 4 : i32
        %mul3A_248 = arith.muli %mul3A_247, %scan3A_28 : i32
        %add3A_249 = arith.constant 2 : i32
        %add3A_250 = arith.addi %mul3A_248, %add3A_249 : i32
        %get3A_251 = arith.index_cast %add3A_250 : i32 to index
        %get3A_252 = arith.constant 80 : index
        %get3A_253 = tpu.vector_load %arg6[%get3A_251, %get3A_252] {strides = array<i32>} : memref<128x128xf32, #tpu.memory_space<vmem>>, vector<1x16xf32>,
        %get3A_254 = vector.shape_cast %get3A_253 : vector<1x16xf32> to vector<16xf32>
        %mul3A_255 = arith.constant 4 : i32
        %mul3A_256 = arith.muli %mul3A_255, %scan3A_28 : i32
        %add3A_257 = arith.constant 3 : i32
        %add3A_258 = arith.addi %mul3A_256, %add3A_257 : i32
        %get3A_259 = arith.index_cast %add3A_258 : i32 to index
        %get3A_260 = arith.constant 80 : index
        %get3A_261 = tpu.vector_load %arg6[%get3A_259, %get3A_260] {strides = array<i32>} : memref<128x128xf32, #tpu.memory_space<vmem>>, vector<1x16xf32>,
        %get3A_262 = vector.shape_cast %get3A_261 : vector<1x16xf32> to vector<16xf32>
        %add3A_263 = arith.addf %get3A_254, %get3A_262 : vector<16xf32>
        %add3A_264 = arith.addf %add3A_246, %add3A_263 : vector<16xf32>
        %mul3A_265 = arith.constant 2.500000e-01 : f32
        %mul3A_266 = vector.broadcast %mul3A_265 : f32 to vector<16xf32>
        %mul3A_267 = arith.mulf %add3A_264, %mul3A_266 : vector<16xf32>
        %swap3A_268 = arith.index_cast %scan3A_28 : i32 to index
        %swap3A_269 = arith.constant 80 : index
        %swap3A_270 = tpu.vector_load %arg7[%swap3A_268, %swap3A_269] {strides = array<i32>} : memref<32x128xf32, #tpu.memory_space<vmem>>, vector<1x16xf32>,
        %swap3A_271 = vector.shape_cast %swap3A_270 : vector<1x16xf32> to vector<16xf32>
        %swap3A_272 = vector.shape_cast %mul3A_267 : vector<16xf32> to vector<1x16xf32>
        tpu.vector_store %arg7[%swap3A_268, %swap3A_269], %swap3A_272 {strides = array<i32>} : memref<32x128xf32, #tpu.memory_space<vmem>>, vector<1x16xf32>,
        %mul3A_273 = arith.constant 4 : i32
        %mul3A_274 = arith.muli %mul3A_273, %scan3A_28 : i32
        %get3A_275 = arith.index_cast %mul3A_274 : i32 to index
        %get3A_276 = arith.constant 96 : index
        %get3A_277 = tpu.vector_load %arg6[%get3A_275, %get3A_276] {strides = array<i32>} : memref<128x128xf32, #tpu.memory_space<vmem>>, vector<1x16xf32>,
        %get3A_278 = vector.shape_cast %get3A_277 : vector<1x16xf32> to vector<16xf32>
        %mul3A_279 = arith.constant 4 : i32
        %mul3A_280 = arith.muli %mul3A_279, %scan3A_28 : i32
        %add3A_281 = arith.constant 1 : i32
        %add3A_282 = arith.addi %mul3A_280, %add3A_281 : i32
        %get3A_283 = arith.index_cast %add3A_282 : i32 to index
        %get3A_284 = arith.constant 96 : index
        %get3A_285 = tpu.vector_load %arg6[%get3A_283, %get3A_284] {strides = array<i32>} : memref<128x128xf32, #tpu.memory_space<vmem>>, vector<1x16xf32>,
        %get3A_286 = vector.shape_cast %get3A_285 : vector<1x16xf32> to vector<16xf32>
        %add3A_287 = arith.addf %get3A_278, %get3A_286 : vector<16xf32>
        %mul3A_288 = arith.constant 4 : i32
        %mul3A_289 = arith.muli %mul3A_288, %scan3A_28 : i32
        %add3A_290 = arith.constant 2 : i32
        %add3A_291 = arith.addi %mul3A_289, %add3A_290 : i32
        %get3A_292 = arith.index_cast %add3A_291 : i32 to index
        %get3A_293 = arith.constant 96 : index
        %get3A_294 = tpu.vector_load %arg6[%get3A_292, %get3A_293] {strides = array<i32>} : memref<128x128xf32, #tpu.memory_space<vmem>>, vector<1x16xf32>,
        %get3A_295 = vector.shape_cast %get3A_294 : vector<1x16xf32> to vector<16xf32>
        %mul3A_296 = arith.constant 4 : i32
        %mul3A_297 = arith.muli %mul3A_296, %scan3A_28 : i32
        %add3A_298 = arith.constant 3 : i32
        %add3A_299 = arith.addi %mul3A_297, %add3A_298 : i32
        %get3A_300 = arith.index_cast %add3A_299 : i32 to index
        %get3A_301 = arith.constant 96 : index
        %get3A_302 = tpu.vector_load %arg6[%get3A_300, %get3A_301] {strides = array<i32>} : memref<128x128xf32, #tpu.memory_space<vmem>>, vector<1x16xf32>,
        %get3A_303 = vector.shape_cast %get3A_302 : vector<1x16xf32> to vector<16xf32>
        %add3A_304 = arith.addf %get3A_295, %get3A_303 : vector<16xf32>
        %add3A_305 = arith.addf %add3A_287, %add3A_304 : vector<16xf32>
        %mul3A_306 = arith.constant 2.500000e-01 : f32
        %mul3A_307 = vector.broadcast %mul3A_306 : f32 to vector<16xf32>
        %mul3A_308 = arith.mulf %add3A_305, %mul3A_307 : vector<16xf32>
        %swap3A_309 = arith.index_cast %scan3A_28 : i32 to index
        %swap3A_310 = arith.constant 96 : index
        %swap3A_311 = tpu.vector_load %arg7[%swap3A_309, %swap3A_310] {strides = array<i32>} : memref<32x128xf32, #tpu.memory_space<vmem>>, vector<1x16xf32>,
        %swap3A_312 = vector.shape_cast %swap3A_311 : vector<1x16xf32> to vector<16xf32>
        %swap3A_313 = vector.shape_cast %mul3A_308 : vector<16xf32> to vector<1x16xf32>
        tpu.vector_store %arg7[%swap3A_309, %swap3A_310], %swap3A_313 {strides = array<i32>} : memref<32x128xf32, #tpu.memory_space<vmem>>, vector<1x16xf32>,
        %mul3A_314 = arith.constant 4 : i32
        %mul3A_315 = arith.muli %mul3A_314, %scan3A_28 : i32
        %get3A_316 = arith.index_cast %mul3A_315 : i32 to index
        %get3A_317 = arith.constant 112 : index
        %get3A_318 = tpu.vector_load %arg6[%get3A_316, %get3A_317] {strides = array<i32>} : memref<128x128xf32, #tpu.memory_space<vmem>>, vector<1x16xf32>,
        %get3A_319 = vector.shape_cast %get3A_318 : vector<1x16xf32> to vector<16xf32>
        %mul3A_320 = arith.constant 4 : i32
        %mul3A_321 = arith.muli %mul3A_320, %scan3A_28 : i32
        %add3A_322 = arith.constant 1 : i32
        %add3A_323 = arith.addi %mul3A_321, %add3A_322 : i32
        %get3A_324 = arith.index_cast %add3A_323 : i32 to index
        %get3A_325 = arith.constant 112 : index
        %get3A_326 = tpu.vector_load %arg6[%get3A_324, %get3A_325] {strides = array<i32>} : memref<128x128xf32, #tpu.memory_space<vmem>>, vector<1x16xf32>,
        %get3A_327 = vector.shape_cast %get3A_326 : vector<1x16xf32> to vector<16xf32>
        %add3A_328 = arith.addf %get3A_319, %get3A_327 : vector<16xf32>
        %mul3A_329 = arith.constant 4 : i32
        %mul3A_330 = arith.muli %mul3A_329, %scan3A_28 : i32
        %add3A_331 = arith.constant 2 : i32
        %add3A_332 = arith.addi %mul3A_330, %add3A_331 : i32
        %get3A_333 = arith.index_cast %add3A_332 : i32 to index
        %get3A_334 = arith.constant 112 : index
        %get3A_335 = tpu.vector_load %arg6[%get3A_333, %get3A_334] {strides = array<i32>} : memref<128x128xf32, #tpu.memory_space<vmem>>, vector<1x16xf32>,
        %get3A_336 = vector.shape_cast %get3A_335 : vector<1x16xf32> to vector<16xf32>
        %mul3A_337 = arith.constant 4 : i32
        %mul3A_338 = arith.muli %mul3A_337, %scan3A_28 : i32
        %add3A_339 = arith.constant 3 : i32
        %add3A_340 = arith.addi %mul3A_338, %add3A_339 : i32
        %get3A_341 = arith.index_cast %add3A_340 : i32 to index
        %get3A_342 = arith.constant 112 : index
        %get3A_343 = tpu.vector_load %arg6[%get3A_341, %get3A_342] {strides = array<i32>} : memref<128x128xf32, #tpu.memory_space<vmem>>, vector<1x16xf32>,
        %get3A_344 = vector.shape_cast %get3A_343 : vector<1x16xf32> to vector<16xf32>
        %add3A_345 = arith.addf %get3A_336, %get3A_344 : vector<16xf32>
        %add3A_346 = arith.addf %add3A_328, %add3A_345 : vector<16xf32>
        %mul3A_347 = arith.constant 2.500000e-01 : f32
        %mul3A_348 = vector.broadcast %mul3A_347 : f32 to vector<16xf32>
        %mul3A_349 = arith.mulf %add3A_346, %mul3A_348 : vector<16xf32>
        %swap3A_350 = arith.index_cast %scan3A_28 : i32 to index
        %swap3A_351 = arith.constant 112 : index
        %swap3A_352 = tpu.vector_load %arg7[%swap3A_350, %swap3A_351] {strides = array<i32>} : memref<32x128xf32, #tpu.memory_space<vmem>>, vector<1x16xf32>,
        %swap3A_353 = vector.shape_cast %swap3A_352 : vector<1x16xf32> to vector<16xf32>
        %swap3A_354 = vector.shape_cast %mul3A_349 : vector<16xf32> to vector<1x16xf32>
        tpu.vector_store %arg7[%swap3A_350, %swap3A_351], %swap3A_354 {strides = array<i32>} : memref<32x128xf32, #tpu.memory_space<vmem>>, vector<1x16xf32>,
      }
      %scan3A_22 = arith.constant 32 : i32
      %mul3A_23 = arith.constant 320 : i32
      %mul3A_24 = arith.muli %add3A, %mul3A_23 : i32
      %mul3A_25 = arith.constant 32 : i32
      %mul3A_26 = arith.muli %scan3A_6, %mul3A_25 : i32
      %add3A_27 = arith.addi %mul3A_24, %mul3A_26 : i32
      "tpu.region"() ({
        %run_scoped3A = tpu.sem_alloc : memref<!tpu.dma_semaphore, #tpu.memory_space<semaphore_mem>>
        %dma_start3A_28 = arith.constant 0 : i32
        %dma_start3A_29 = tpu.memref_slice %arg4[%add3A_27, %dma_start3A_28] : memref<10240x128xf32, #tpu.memory_space<hbm>> -> memref<32x128xf32, #tpu.memory_space<hbm>>
        %dma_start3A_30 = arith.constant 0 : i32
        %dma_start3A_31 = tpu.memref_slice %arg4[%add3A_27, %dma_start3A_30] : memref<10240x128xf32, #tpu.memory_space<hbm>> -> memref<32x128xf32, #tpu.memory_space<hbm>>
        tpu.enqueue_dma source(%arg7 : memref<32x128xf32, #tpu.memory_space<vmem>>) target(%dma_start3A_31 : memref<32x128xf32, #tpu.memory_space<hbm>>) target_semaphore(%run_scoped3A : memref<!tpu.dma_semaphore, #tpu.memory_space<semaphore_mem>>)
        %dma_wait3A_32 = arith.constant 0 : i32
        %dma_wait3A_33 = tpu.memref_slice %arg4[%add3A_27, %dma_wait3A_32] : memref<10240x128xf32, #tpu.memory_space<hbm>> -> memref<32x128xf32, #tpu.memory_space<hbm>>
        %dma_wait3A_34 = arith.constant 0 : i32
        %dma_wait3A_35 = tpu.memref_slice %arg4[%add3A_27, %dma_wait3A_34] : memref<10240x128xf32, #tpu.memory_space<hbm>> -> memref<32x128xf32, #tpu.memory_space<hbm>>
        tpu.wait_dma2 semaphore(%run_scoped3A : memref<!tpu.dma_semaphore, #tpu.memory_space<semaphore_mem>>) src(%arg7 : memref<32x128xf32, #tpu.memory_space<vmem>>) dst(%dma_wait3A_35 : memref<32x128xf32, #tpu.memory_space<hbm>>)
        tpu.yield
      }) : () -> ()
    }
    %scan3A_5 = arith.constant 10 : i32
    return
  }
}

#map = affine_map<(d0, d1) -> (0, 0)>
#map1 = affine_map<(d0, d1) -> (0, 0, 0)>
module attributes {stable_mosaic.version = 14 : i64} {
  func.func @sc_gather_mean(%arg0: i32, %arg1: i32, %arg2: memref<10000x128xf32, #tpu.memory_space<hbm>>, %arg3: memref<32x10x128xi32, #tpu.memory_space<hbm>>, %arg4: memref<10240x128xf32, #tpu.memory_space<hbm>>, %arg5: memref<10x128xi32, #tpu.memory_space<vmem>>, %arg6: memref<128x128xf32, #tpu.memory_space<vmem>>, %arg7: memref<32x128xf32, #tpu.memory_space<vmem>>, %arg8: memref<!tpu.dma_semaphore, #tpu.memory_space<semaphore_mem>>) attributes {dimension_semantics = [#tpu.dimension_semantics<core_parallel>, #tpu.dimension_semantics<subcore_parallel>], iteration_bounds = array<i64: 2, 16>, scalar_prefetch = 0 : i64, scratch_operands = 4 : i64, tpu.core_type = #tpu.core_type<sc_vector_subcore>, window_params = [{transform_indices = #map}, {transform_indices = #map1}, {transform_indices = #map}]} {
    %mul3A = arith.constant 16 : i32
    %mul3A_0 = arith.muli %arg0, %mul3A : i32
    %add3A = arith.addi %mul3A_0, %arg1 : i32
    "tpu.region"() ({
      %run_scoped3A = tpu.sem_alloc : memref<!tpu.dma_semaphore, #tpu.memory_space<semaphore_mem>>
      %dma_start3A = arith.constant 0 : i32
      %dma_start3A_6 = arith.constant 0 : i32
      %dma_start3A_7 = tpu.memref_slice %arg3[%add3A, %dma_start3A, %dma_start3A_6] : memref<32x10x128xi32, #tpu.memory_space<hbm>> -> memref<1x10x128xi32, #tpu.memory_space<hbm>>
      %dma_start3A_8 = tpu.memref_squeeze %dma_start3A_7 : memref<1x10x128xi32, #tpu.memory_space<hbm>> -> memref<10x128xi32, #tpu.memory_space<hbm>>
      %dma_start3A_9 = arith.constant 0 : i32
      %dma_start3A_10 = arith.constant 0 : i32
      %dma_start3A_11 = tpu.memref_slice %arg3[%add3A, %dma_start3A_9, %dma_start3A_10] : memref<32x10x128xi32, #tpu.memory_space<hbm>> -> memref<1x10x128xi32, #tpu.memory_space<hbm>>
      %dma_start3A_12 = tpu.memref_squeeze %dma_start3A_11 : memref<1x10x128xi32, #tpu.memory_space<hbm>> -> memref<10x128xi32, #tpu.memory_space<hbm>>
      tpu.enqueue_dma source(%dma_start3A_12 : memref<10x128xi32, #tpu.memory_space<hbm>>) target(%arg5 : memref<10x128xi32, #tpu.memory_space<vmem>>) target_semaphore(%run_scoped3A : memref<!tpu.dma_semaphore, #tpu.memory_space<semaphore_mem>>)
      %dma_wait3A = arith.constant 0 : i32
      %dma_wait3A_13 = arith.constant 0 : i32
      %dma_wait3A_14 = tpu.memref_slice %arg3[%add3A, %dma_wait3A, %dma_wait3A_13] : memref<32x10x128xi32, #tpu.memory_space<hbm>> -> memref<1x10x128xi32, #tpu.memory_space<hbm>>
      %dma_wait3A_15 = tpu.memref_squeeze %dma_wait3A_14 : memref<1x10x128xi32, #tpu.memory_space<hbm>> -> memref<10x128xi32, #tpu.memory_space<hbm>>
      %dma_wait3A_16 = arith.constant 0 : i32
      %dma_wait3A_17 = arith.constant 0 : i32
      %dma_wait3A_18 = tpu.memref_slice %arg3[%add3A, %dma_wait3A_16, %dma_wait3A_17] : memref<32x10x128xi32, #tpu.memory_space<hbm>> -> memref<1x10x128xi32, #tpu.memory_space<hbm>>
      %dma_wait3A_19 = tpu.memref_squeeze %dma_wait3A_18 : memref<1x10x128xi32, #tpu.memory_space<hbm>> -> memref<10x128xi32, #tpu.memory_space<hbm>>
      tpu.wait_dma2 semaphore(%run_scoped3A : memref<!tpu.dma_semaphore, #tpu.memory_space<semaphore_mem>>) src(%dma_wait3A_19 : memref<10x128xi32, #tpu.memory_space<hbm>>) dst(%arg5 : memref<10x128xi32, #tpu.memory_space<vmem>>)
      tpu.yield
    }) : () -> ()
    %scan3A = arith.constant 0 : i32
    %scan3A_1 = arith.constant 0 : i32
    %scan3A_2 = arith.constant 10 : i32
    %scan3A_3 = arith.addi %scan3A_1, %scan3A_2 : i32
    %scan3A_4 = arith.constant 1 : i32
    scf.for %scan3A_6 = %scan3A_1 to %scan3A_3 step %scan3A_4  : i32 {
      %dma_start3A = arith.constant 0 : i32
      %dma_start3A_7 = tpu.memref_slice %arg5[%scan3A_6, %dma_start3A] : memref<10x128xi32, #tpu.memory_space<vmem>> -> memref<1x128xi32, #tpu.memory_space<vmem>>
      %dma_start3A_8 = tpu.memref_squeeze %dma_start3A_7 : memref<1x128xi32, #tpu.memory_space<vmem>> -> memref<128xi32, #tpu.memory_space<vmem>>
      %dma_start3A_9 = arith.constant 0 : i32
      %dma_start3A_10 = arith.constant 0 : i32
      %dma_start3A_11 = tpu.memref_slice %arg2[%dma_start3A_9, %dma_start3A_10] : memref<10000x128xf32, #tpu.memory_space<hbm>> -> memref<10000x128xf32, #tpu.memory_space<hbm>>
      tpu.enqueue_indirect_dma source(%dma_start3A_11 : memref<10000x128xf32, #tpu.memory_space<hbm>>) target(%arg6 : memref<128x128xf32, #tpu.memory_space<vmem>>) offsets(%dma_start3A_8 : memref<128xi32, #tpu.memory_space<vmem>>) semaphore(%arg8 : memref<!tpu.dma_semaphore, #tpu.memory_space<semaphore_mem>>)
      %dma_wait3A = arith.constant 0 : i32
      %dma_wait3A_12 = tpu.memref_slice %arg5[%scan3A_6, %dma_wait3A] : memref<10x128xi32, #tpu.memory_space<vmem>> -> memref<1x128xi32, #tpu.memory_space<vmem>>
      %dma_wait3A_13 = tpu.memref_squeeze %dma_wait3A_12 : memref<1x128xi32, #tpu.memory_space<vmem>> -> memref<128xi32, #tpu.memory_space<vmem>>
      %dma_wait3A_14 = arith.constant 0 : i32
      %dma_wait3A_15 = arith.constant 0 : i32
      %dma_wait3A_16 = tpu.memref_slice %arg2[%dma_wait3A_14, %dma_wait3A_15] : memref<10000x128xf32, #tpu.memory_space<hbm>> -> memref<10000x128xf32, #tpu.memory_space<hbm>>
      tpu.wait_indirect_dma semaphore(%arg8 : memref<!tpu.dma_semaphore, #tpu.memory_space<semaphore_mem>>) src(%dma_wait3A_16 : memref<10000x128xf32, #tpu.memory_space<hbm>>) dst(%arg6 : memref<128x128xf32, #tpu.memory_space<vmem>>)
      %scan3A_17 = arith.constant 0 : i32
      %scan3A_18 = arith.constant 0 : i32
      %scan3A_19 = arith.constant 32 : i32
      %scan3A_20 = arith.addi %scan3A_18, %scan3A_19 : i32
      %scan3A_21 = arith.constant 1 : i32
      scf.for %scan3A_28 = %scan3A_18 to %scan3A_20 step %scan3A_21  : i32 {
        %mul3A_29 = arith.constant 4 : i32
        %mul3A_30 = arith.muli %mul3A_29, %scan3A_28 : i32
        %get3A = arith.index_cast %mul3A_30 : i32 to index
        %get3A_31 = arith.constant 0 : index
        %get3A_32 = tpu.vector_load %arg6[%get3A, %get3A_31] {strides = array<i32>} : memref<128x128xf32, #tpu.memory_space<vmem>>, vector<1x16xf32>,
        %get3A_33 = vector.shape_cast %get3A_32 : vector<1x16xf32> to vector<16xf32>
        %mul3A_34 = arith.constant 4 : i32
        %mul3A_35 = arith.muli %mul3A_34, %scan3A_28 : i32
        %add3A_36 = arith.constant 1 : i32
        %add3A_37 = arith.addi %mul3A_35, %add3A_36 : i32
        %get3A_38 = arith.index_cast %add3A_37 : i32 to index
        %get3A_39 = arith.constant 0 : index
        %get3A_40 = tpu.vector_load %arg6[%get3A_38, %get3A_39] {strides = array<i32>} : memref<128x128xf32, #tpu.memory_space<vmem>>, vector<1x16xf32>,
        %get3A_41 = vector.shape_cast %get3A_40 : vector<1x16xf32> to vector<16xf32>
        %add3A_42 = arith.addf %get3A_33, %get3A_41 : vector<16xf32>
        %mul3A_43 = arith.constant 4 : i32
        %mul3A_44 = arith.muli %mul3A_43, %scan3A_28 : i32
        %add3A_45 = arith.constant 2 : i32
        %add3A_46 = arith.addi %mul3A_44, %add3A_45 : i32
        %get3A_47 = arith.index_cast %add3A_46 : i32 to index
        %get3A_48 = arith.constant 0 : index
        %get3A_49 = tpu.vector_load %arg6[%get3A_47, %get3A_48] {strides = array<i32>} : memref<128x128xf32, #tpu.memory_space<vmem>>, vector<1x16xf32>,
        %get3A_50 = vector.shape_cast %get3A_49 : vector<1x16xf32> to vector<16xf32>
        %mul3A_51 = arith.constant 4 : i32
        %mul3A_52 = arith.muli %mul3A_51, %scan3A_28 : i32
        %add3A_53 = arith.constant 3 : i32
        %add3A_54 = arith.addi %mul3A_52, %add3A_53 : i32
        %get3A_55 = arith.index_cast %add3A_54 : i32 to index
        %get3A_56 = arith.constant 0 : index
        %get3A_57 = tpu.vector_load %arg6[%get3A_55, %get3A_56] {strides = array<i32>} : memref<128x128xf32, #tpu.memory_space<vmem>>, vector<1x16xf32>,
        %get3A_58 = vector.shape_cast %get3A_57 : vector<1x16xf32> to vector<16xf32>
        %add3A_59 = arith.addf %get3A_50, %get3A_58 : vector<16xf32>
        %add3A_60 = arith.addf %add3A_42, %add3A_59 : vector<16xf32>
        %mul3A_61 = arith.constant 2.500000e-01 : f32
        %mul3A_62 = vector.broadcast %mul3A_61 : f32 to vector<16xf32>
        %mul3A_63 = arith.mulf %add3A_60, %mul3A_62 : vector<16xf32>
        %swap3A = arith.index_cast %scan3A_28 : i32 to index
        %swap3A_64 = arith.constant 0 : index
        %swap3A_65 = tpu.vector_load %arg7[%swap3A, %swap3A_64] {strides = array<i32>} : memref<32x128xf32, #tpu.memory_space<vmem>>, vector<1x16xf32>,
        %swap3A_66 = vector.shape_cast %swap3A_65 : vector<1x16xf32> to vector<16xf32>
        %swap3A_67 = vector.shape_cast %mul3A_63 : vector<16xf32> to vector<1x16xf32>
        tpu.vector_store %arg7[%swap3A, %swap3A_64], %swap3A_67 {strides = array<i32>} : memref<32x128xf32, #tpu.memory_space<vmem>>, vector<1x16xf32>,
        %mul3A_68 = arith.constant 4 : i32
        %mul3A_69 = arith.muli %mul3A_68, %scan3A_28 : i32
        %get3A_70 = arith.index_cast %mul3A_69 : i32 to index
        %get3A_71 = arith.constant 16 : index
        %get3A_72 = tpu.vector_load %arg6[%get3A_70, %get3A_71] {strides = array<i32>} : memref<128x128xf32, #tpu.memory_space<vmem>>, vector<1x16xf32>,
        %get3A_73 = vector.shape_cast %get3A_72 : vector<1x16xf32> to vector<16xf32>
        %mul3A_74 = arith.constant 4 : i32
        %mul3A_75 = arith.muli %mul3A_74, %scan3A_28 : i32
        %add3A_76 = arith.constant 1 : i32
        %add3A_77 = arith.addi %mul3A_75, %add3A_76 : i32
        %get3A_78 = arith.index_cast %add3A_77 : i32 to index
        %get3A_79 = arith.constant 16 : index
        %get3A_80 = tpu.vector_load %arg6[%get3A_78, %get3A_79] {strides = array<i32>} : memref<128x128xf32, #tpu.memory_space<vmem>>, vector<1x16xf32>,
        %get3A_81 = vector.shape_cast %get3A_80 : vector<1x16xf32> to vector<16xf32>
        %add3A_82 = arith.addf %get3A_73, %get3A_81 : vector<16xf32>
        %mul3A_83 = arith.constant 4 : i32
        %mul3A_84 = arith.muli %mul3A_83, %scan3A_28 : i32
        %add3A_85 = arith.constant 2 : i32
        %add3A_86 = arith.addi %mul3A_84, %add3A_85 : i32
        %get3A_87 = arith.index_cast %add3A_86 : i32 to index
        %get3A_88 = arith.constant 16 : index
        %get3A_89 = tpu.vector_load %arg6[%get3A_87, %get3A_88] {strides = array<i32>} : memref<128x128xf32, #tpu.memory_space<vmem>>, vector<1x16xf32>,
        %get3A_90 = vector.shape_cast %get3A_89 : vector<1x16xf32> to vector<16xf32>
        %mul3A_91 = arith.constant 4 : i32
        %mul3A_92 = arith.muli %mul3A_91, %scan3A_28 : i32
        %add3A_93 = arith.constant 3 : i32
        %add3A_94 = arith.addi %mul3A_92, %add3A_93 : i32
        %get3A_95 = arith.index_cast %add3A_94 : i32 to index
        %get3A_96 = arith.constant 16 : index
        %get3A_97 = tpu.vector_load %arg6[%get3A_95, %get3A_96] {strides = array<i32>} : memref<128x128xf32, #tpu.memory_space<vmem>>, vector<1x16xf32>,
        %get3A_98 = vector.shape_cast %get3A_97 : vector<1x16xf32> to vector<16xf32>
        %add3A_99 = arith.addf %get3A_90, %get3A_98 : vector<16xf32>
        %add3A_100 = arith.addf %add3A_82, %add3A_99 : vector<16xf32>
        %mul3A_101 = arith.constant 2.500000e-01 : f32
        %mul3A_102 = vector.broadcast %mul3A_101 : f32 to vector<16xf32>
        %mul3A_103 = arith.mulf %add3A_100, %mul3A_102 : vector<16xf32>
        %swap3A_104 = arith.index_cast %scan3A_28 : i32 to index
        %swap3A_105 = arith.constant 16 : index
        %swap3A_106 = tpu.vector_load %arg7[%swap3A_104, %swap3A_105] {strides = array<i32>} : memref<32x128xf32, #tpu.memory_space<vmem>>, vector<1x16xf32>,
        %swap3A_107 = vector.shape_cast %swap3A_106 : vector<1x16xf32> to vector<16xf32>
        %swap3A_108 = vector.shape_cast %mul3A_103 : vector<16xf32> to vector<1x16xf32>
        tpu.vector_store %arg7[%swap3A_104, %swap3A_105], %swap3A_108 {strides = array<i32>} : memref<32x128xf32, #tpu.memory_space<vmem>>, vector<1x16xf32>,
        %mul3A_109 = arith.constant 4 : i32
        %mul3A_110 = arith.muli %mul3A_109, %scan3A_28 : i32
        %get3A_111 = arith.index_cast %mul3A_110 : i32 to index
        %get3A_112 = arith.constant 32 : index
        %get3A_113 = tpu.vector_load %arg6[%get3A_111, %get3A_112] {strides = array<i32>} : memref<128x128xf32, #tpu.memory_space<vmem>>, vector<1x16xf32>,
        %get3A_114 = vector.shape_cast %get3A_113 : vector<1x16xf32> to vector<16xf32>
        %mul3A_115 = arith.constant 4 : i32
        %mul3A_116 = arith.muli %mul3A_115, %scan3A_28 : i32
        %add3A_117 = arith.constant 1 : i32
        %add3A_118 = arith.addi %mul3A_116, %add3A_117 : i32
        %get3A_119 = arith.index_cast %add3A_118 : i32 to index
        %get3A_120 = arith.constant 32 : index
        %get3A_121 = tpu.vector_load %arg6[%get3A_119, %get3A_120] {strides = array<i32>} : memref<128x128xf32, #tpu.memory_space<vmem>>, vector<1x16xf32>,
        %get3A_122 = vector.shape_cast %get3A_121 : vector<1x16xf32> to vector<16xf32>
        %add3A_123 = arith.addf %get3A_114, %get3A_122 : vector<16xf32>
        %mul3A_124 = arith.constant 4 : i32
        %mul3A_125 = arith.muli %mul3A_124, %scan3A_28 : i32
        %add3A_126 = arith.constant 2 : i32
        %add3A_127 = arith.addi %mul3A_125, %add3A_126 : i32
        %get3A_128 = arith.index_cast %add3A_127 : i32 to index
        %get3A_129 = arith.constant 32 : index
        %get3A_130 = tpu.vector_load %arg6[%get3A_128, %get3A_129] {strides = array<i32>} : memref<128x128xf32, #tpu.memory_space<vmem>>, vector<1x16xf32>,
        %get3A_131 = vector.shape_cast %get3A_130 : vector<1x16xf32> to vector<16xf32>
        %mul3A_132 = arith.constant 4 : i32
        %mul3A_133 = arith.muli %mul3A_132, %scan3A_28 : i32
        %add3A_134 = arith.constant 3 : i32
        %add3A_135 = arith.addi %mul3A_133, %add3A_134 : i32
        %get3A_136 = arith.index_cast %add3A_135 : i32 to index
        %get3A_137 = arith.constant 32 : index
        %get3A_138 = tpu.vector_load %arg6[%get3A_136, %get3A_137] {strides = array<i32>} : memref<128x128xf32, #tpu.memory_space<vmem>>, vector<1x16xf32>,
        %get3A_139 = vector.shape_cast %get3A_138 : vector<1x16xf32> to vector<16xf32>
        %add3A_140 = arith.addf %get3A_131, %get3A_139 : vector<16xf32>
        %add3A_141 = arith.addf %add3A_123, %add3A_140 : vector<16xf32>
        %mul3A_142 = arith.constant 2.500000e-01 : f32
        %mul3A_143 = vector.broadcast %mul3A_142 : f32 to vector<16xf32>
        %mul3A_144 = arith.mulf %add3A_141, %mul3A_143 : vector<16xf32>
        %swap3A_145 = arith.index_cast %scan3A_28 : i32 to index
        %swap3A_146 = arith.constant 32 : index
        %swap3A_147 = tpu.vector_load %arg7[%swap3A_145, %swap3A_146] {strides = array<i32>} : memref<32x128xf32, #tpu.memory_space<vmem>>, vector<1x16xf32>,
        %swap3A_148 = vector.shape_cast %swap3A_147 : vector<1x16xf32> to vector<16xf32>
        %swap3A_149 = vector.shape_cast %mul3A_144 : vector<16xf32> to vector<1x16xf32>
        tpu.vector_store %arg7[%swap3A_145, %swap3A_146], %swap3A_149 {strides = array<i32>} : memref<32x128xf32, #tpu.memory_space<vmem>>, vector<1x16xf32>,
        %mul3A_150 = arith.constant 4 : i32
        %mul3A_151 = arith.muli %mul3A_150, %scan3A_28 : i32
        %get3A_152 = arith.index_cast %mul3A_151 : i32 to index
        %get3A_153 = arith.constant 48 : index
        %get3A_154 = tpu.vector_load %arg6[%get3A_152, %get3A_153] {strides = array<i32>} : memref<128x128xf32, #tpu.memory_space<vmem>>, vector<1x16xf32>,
        %get3A_155 = vector.shape_cast %get3A_154 : vector<1x16xf32> to vector<16xf32>
        %mul3A_156 = arith.constant 4 : i32
        %mul3A_157 = arith.muli %mul3A_156, %scan3A_28 : i32
        %add3A_158 = arith.constant 1 : i32
        %add3A_159 = arith.addi %mul3A_157, %add3A_158 : i32
        %get3A_160 = arith.index_cast %add3A_159 : i32 to index
        %get3A_161 = arith.constant 48 : index
        %get3A_162 = tpu.vector_load %arg6[%get3A_160, %get3A_161] {strides = array<i32>} : memref<128x128xf32, #tpu.memory_space<vmem>>, vector<1x16xf32>,
        %get3A_163 = vector.shape_cast %get3A_162 : vector<1x16xf32> to vector<16xf32>
        %add3A_164 = arith.addf %get3A_155, %get3A_163 : vector<16xf32>
        %mul3A_165 = arith.constant 4 : i32
        %mul3A_166 = arith.muli %mul3A_165, %scan3A_28 : i32
        %add3A_167 = arith.constant 2 : i32
        %add3A_168 = arith.addi %mul3A_166, %add3A_167 : i32
        %get3A_169 = arith.index_cast %add3A_168 : i32 to index
        %get3A_170 = arith.constant 48 : index
        %get3A_171 = tpu.vector_load %arg6[%get3A_169, %get3A_170] {strides = array<i32>} : memref<128x128xf32, #tpu.memory_space<vmem>>, vector<1x16xf32>,
        %get3A_172 = vector.shape_cast %get3A_171 : vector<1x16xf32> to vector<16xf32>
        %mul3A_173 = arith.constant 4 : i32
        %mul3A_174 = arith.muli %mul3A_173, %scan3A_28 : i32
        %add3A_175 = arith.constant 3 : i32
        %add3A_176 = arith.addi %mul3A_174, %add3A_175 : i32
        %get3A_177 = arith.index_cast %add3A_176 : i32 to index
        %get3A_178 = arith.constant 48 : index
        %get3A_179 = tpu.vector_load %arg6[%get3A_177, %get3A_178] {strides = array<i32>} : memref<128x128xf32, #tpu.memory_space<vmem>>, vector<1x16xf32>,
        %get3A_180 = vector.shape_cast %get3A_179 : vector<1x16xf32> to vector<16xf32>
        %add3A_181 = arith.addf %get3A_172, %get3A_180 : vector<16xf32>
        %add3A_182 = arith.addf %add3A_164, %add3A_181 : vector<16xf32>
        %mul3A_183 = arith.constant 2.500000e-01 : f32
        %mul3A_184 = vector.broadcast %mul3A_183 : f32 to vector<16xf32>
        %mul3A_185 = arith.mulf %add3A_182, %mul3A_184 : vector<16xf32>
        %swap3A_186 = arith.index_cast %scan3A_28 : i32 to index
        %swap3A_187 = arith.constant 48 : index
        %swap3A_188 = tpu.vector_load %arg7[%swap3A_186, %swap3A_187] {strides = array<i32>} : memref<32x128xf32, #tpu.memory_space<vmem>>, vector<1x16xf32>,
        %swap3A_189 = vector.shape_cast %swap3A_188 : vector<1x16xf32> to vector<16xf32>
        %swap3A_190 = vector.shape_cast %mul3A_185 : vector<16xf32> to vector<1x16xf32>
        tpu.vector_store %arg7[%swap3A_186, %swap3A_187], %swap3A_190 {strides = array<i32>} : memref<32x128xf32, #tpu.memory_space<vmem>>, vector<1x16xf32>,
        %mul3A_191 = arith.constant 4 : i32
        %mul3A_192 = arith.muli %mul3A_191, %scan3A_28 : i32
        %get3A_193 = arith.index_cast %mul3A_192 : i32 to index
        %get3A_194 = arith.constant 64 : index
        %get3A_195 = tpu.vector_load %arg6[%get3A_193, %get3A_194] {strides = array<i32>} : memref<128x128xf32, #tpu.memory_space<vmem>>, vector<1x16xf32>,
        %get3A_196 = vector.shape_cast %get3A_195 : vector<1x16xf32> to vector<16xf32>
        %mul3A_197 = arith.constant 4 : i32
        %mul3A_198 = arith.muli %mul3A_197, %scan3A_28 : i32
        %add3A_199 = arith.constant 1 : i32
        %add3A_200 = arith.addi %mul3A_198, %add3A_199 : i32
        %get3A_201 = arith.index_cast %add3A_200 : i32 to index
        %get3A_202 = arith.constant 64 : index
        %get3A_203 = tpu.vector_load %arg6[%get3A_201, %get3A_202] {strides = array<i32>} : memref<128x128xf32, #tpu.memory_space<vmem>>, vector<1x16xf32>,
        %get3A_204 = vector.shape_cast %get3A_203 : vector<1x16xf32> to vector<16xf32>
        %add3A_205 = arith.addf %get3A_196, %get3A_204 : vector<16xf32>
        %mul3A_206 = arith.constant 4 : i32
        %mul3A_207 = arith.muli %mul3A_206, %scan3A_28 : i32
        %add3A_208 = arith.constant 2 : i32
        %add3A_209 = arith.addi %mul3A_207, %add3A_208 : i32
        %get3A_210 = arith.index_cast %add3A_209 : i32 to index
        %get3A_211 = arith.constant 64 : index
        %get3A_212 = tpu.vector_load %arg6[%get3A_210, %get3A_211] {strides = array<i32>} : memref<128x128xf32, #tpu.memory_space<vmem>>, vector<1x16xf32>,
        %get3A_213 = vector.shape_cast %get3A_212 : vector<1x16xf32> to vector<16xf32>
        %mul3A_214 = arith.constant 4 : i32
        %mul3A_215 = arith.muli %mul3A_214, %scan3A_28 : i32
        %add3A_216 = arith.constant 3 : i32
        %add3A_217 = arith.addi %mul3A_215, %add3A_216 : i32
        %get3A_218 = arith.index_cast %add3A_217 : i32 to index
        %get3A_219 = arith.constant 64 : index
        %get3A_220 = tpu.vector_load %arg6[%get3A_218, %get3A_219] {strides = array<i32>} : memref<128x128xf32, #tpu.memory_space<vmem>>, vector<1x16xf32>,
        %get3A_221 = vector.shape_cast %get3A_220 : vector<1x16xf32> to vector<16xf32>
        %add3A_222 = arith.addf %get3A_213, %get3A_221 : vector<16xf32>
        %add3A_223 = arith.addf %add3A_205, %add3A_222 : vector<16xf32>
        %mul3A_224 = arith.constant 2.500000e-01 : f32
        %mul3A_225 = vector.broadcast %mul3A_224 : f32 to vector<16xf32>
        %mul3A_226 = arith.mulf %add3A_223, %mul3A_225 : vector<16xf32>
        %swap3A_227 = arith.index_cast %scan3A_28 : i32 to index
        %swap3A_228 = arith.constant 64 : index
        %swap3A_229 = tpu.vector_load %arg7[%swap3A_227, %swap3A_228] {strides = array<i32>} : memref<32x128xf32, #tpu.memory_space<vmem>>, vector<1x16xf32>,
        %swap3A_230 = vector.shape_cast %swap3A_229 : vector<1x16xf32> to vector<16xf32>
        %swap3A_231 = vector.shape_cast %mul3A_226 : vector<16xf32> to vector<1x16xf32>
        tpu.vector_store %arg7[%swap3A_227, %swap3A_228], %swap3A_231 {strides = array<i32>} : memref<32x128xf32, #tpu.memory_space<vmem>>, vector<1x16xf32>,
        %mul3A_232 = arith.constant 4 : i32
        %mul3A_233 = arith.muli %mul3A_232, %scan3A_28 : i32
        %get3A_234 = arith.index_cast %mul3A_233 : i32 to index
        %get3A_235 = arith.constant 80 : index
        %get3A_236 = tpu.vector_load %arg6[%get3A_234, %get3A_235] {strides = array<i32>} : memref<128x128xf32, #tpu.memory_space<vmem>>, vector<1x16xf32>,
        %get3A_237 = vector.shape_cast %get3A_236 : vector<1x16xf32> to vector<16xf32>
        %mul3A_238 = arith.constant 4 : i32
        %mul3A_239 = arith.muli %mul3A_238, %scan3A_28 : i32
        %add3A_240 = arith.constant 1 : i32
        %add3A_241 = arith.addi %mul3A_239, %add3A_240 : i32
        %get3A_242 = arith.index_cast %add3A_241 : i32 to index
        %get3A_243 = arith.constant 80 : index
        %get3A_244 = tpu.vector_load %arg6[%get3A_242, %get3A_243] {strides = array<i32>} : memref<128x128xf32, #tpu.memory_space<vmem>>, vector<1x16xf32>,
        %get3A_245 = vector.shape_cast %get3A_244 : vector<1x16xf32> to vector<16xf32>
        %add3A_246 = arith.addf %get3A_237, %get3A_245 : vector<16xf32>
        %mul3A_247 = arith.constant 4 : i32
        %mul3A_248 = arith.muli %mul3A_247, %scan3A_28 : i32
        %add3A_249 = arith.constant 2 : i32
        %add3A_250 = arith.addi %mul3A_248, %add3A_249 : i32
        %get3A_251 = arith.index_cast %add3A_250 : i32 to index
        %get3A_252 = arith.constant 80 : index
        %get3A_253 = tpu.vector_load %arg6[%get3A_251, %get3A_252] {strides = array<i32>} : memref<128x128xf32, #tpu.memory_space<vmem>>, vector<1x16xf32>,
        %get3A_254 = vector.shape_cast %get3A_253 : vector<1x16xf32> to vector<16xf32>
        %mul3A_255 = arith.constant 4 : i32
        %mul3A_256 = arith.muli %mul3A_255, %scan3A_28 : i32
        %add3A_257 = arith.constant 3 : i32
        %add3A_258 = arith.addi %mul3A_256, %add3A_257 : i32
        %get3A_259 = arith.index_cast %add3A_258 : i32 to index
        %get3A_260 = arith.constant 80 : index
        %get3A_261 = tpu.vector_load %arg6[%get3A_259, %get3A_260] {strides = array<i32>} : memref<128x128xf32, #tpu.memory_space<vmem>>, vector<1x16xf32>,
        %get3A_262 = vector.shape_cast %get3A_261 : vector<1x16xf32> to vector<16xf32>
        %add3A_263 = arith.addf %get3A_254, %get3A_262 : vector<16xf32>
        %add3A_264 = arith.addf %add3A_246, %add3A_263 : vector<16xf32>
        %mul3A_265 = arith.constant 2.500000e-01 : f32
        %mul3A_266 = vector.broadcast %mul3A_265 : f32 to vector<16xf32>
        %mul3A_267 = arith.mulf %add3A_264, %mul3A_266 : vector<16xf32>
        %swap3A_268 = arith.index_cast %scan3A_28 : i32 to index
        %swap3A_269 = arith.constant 80 : index
        %swap3A_270 = tpu.vector_load %arg7[%swap3A_268, %swap3A_269] {strides = array<i32>} : memref<32x128xf32, #tpu.memory_space<vmem>>, vector<1x16xf32>,
        %swap3A_271 = vector.shape_cast %swap3A_270 : vector<1x16xf32> to vector<16xf32>
        %swap3A_272 = vector.shape_cast %mul3A_267 : vector<16xf32> to vector<1x16xf32>
        tpu.vector_store %arg7[%swap3A_268, %swap3A_269], %swap3A_272 {strides = array<i32>} : memref<32x128xf32, #tpu.memory_space<vmem>>, vector<1x16xf32>,
        %mul3A_273 = arith.constant 4 : i32
        %mul3A_274 = arith.muli %mul3A_273, %scan3A_28 : i32
        %get3A_275 = arith.index_cast %mul3A_274 : i32 to index
        %get3A_276 = arith.constant 96 : index
        %get3A_277 = tpu.vector_load %arg6[%get3A_275, %get3A_276] {strides = array<i32>} : memref<128x128xf32, #tpu.memory_space<vmem>>, vector<1x16xf32>,
        %get3A_278 = vector.shape_cast %get3A_277 : vector<1x16xf32> to vector<16xf32>
        %mul3A_279 = arith.constant 4 : i32
        %mul3A_280 = arith.muli %mul3A_279, %scan3A_28 : i32
        %add3A_281 = arith.constant 1 : i32
        %add3A_282 = arith.addi %mul3A_280, %add3A_281 : i32
        %get3A_283 = arith.index_cast %add3A_282 : i32 to index
        %get3A_284 = arith.constant 96 : index
        %get3A_285 = tpu.vector_load %arg6[%get3A_283, %get3A_284] {strides = array<i32>} : memref<128x128xf32, #tpu.memory_space<vmem>>, vector<1x16xf32>,
        %get3A_286 = vector.shape_cast %get3A_285 : vector<1x16xf32> to vector<16xf32>
        %add3A_287 = arith.addf %get3A_278, %get3A_286 : vector<16xf32>
        %mul3A_288 = arith.constant 4 : i32
        %mul3A_289 = arith.muli %mul3A_288, %scan3A_28 : i32
        %add3A_290 = arith.constant 2 : i32
        %add3A_291 = arith.addi %mul3A_289, %add3A_290 : i32
        %get3A_292 = arith.index_cast %add3A_291 : i32 to index
        %get3A_293 = arith.constant 96 : index
        %get3A_294 = tpu.vector_load %arg6[%get3A_292, %get3A_293] {strides = array<i32>} : memref<128x128xf32, #tpu.memory_space<vmem>>, vector<1x16xf32>,
        %get3A_295 = vector.shape_cast %get3A_294 : vector<1x16xf32> to vector<16xf32>
        %mul3A_296 = arith.constant 4 : i32
        %mul3A_297 = arith.muli %mul3A_296, %scan3A_28 : i32
        %add3A_298 = arith.constant 3 : i32
        %add3A_299 = arith.addi %mul3A_297, %add3A_298 : i32
        %get3A_300 = arith.index_cast %add3A_299 : i32 to index
        %get3A_301 = arith.constant 96 : index
        %get3A_302 = tpu.vector_load %arg6[%get3A_300, %get3A_301] {strides = array<i32>} : memref<128x128xf32, #tpu.memory_space<vmem>>, vector<1x16xf32>,
        %get3A_303 = vector.shape_cast %get3A_302 : vector<1x16xf32> to vector<16xf32>
        %add3A_304 = arith.addf %get3A_295, %get3A_303 : vector<16xf32>
        %add3A_305 = arith.addf %add3A_287, %add3A_304 : vector<16xf32>
        %mul3A_306 = arith.constant 2.500000e-01 : f32
        %mul3A_307 = vector.broadcast %mul3A_306 : f32 to vector<16xf32>
        %mul3A_308 = arith.mulf %add3A_305, %mul3A_307 : vector<16xf32>
        %swap3A_309 = arith.index_cast %scan3A_28 : i32 to index
        %swap3A_310 = arith.constant 96 : index
        %swap3A_311 = tpu.vector_load %arg7[%swap3A_309, %swap3A_310] {strides = array<i32>} : memref<32x128xf32, #tpu.memory_space<vmem>>, vector<1x16xf32>,
        %swap3A_312 = vector.shape_cast %swap3A_311 : vector<1x16xf32> to vector<16xf32>
        %swap3A_313 = vector.shape_cast %mul3A_308 : vector<16xf32> to vector<1x16xf32>
        tpu.vector_store %arg7[%swap3A_309, %swap3A_310], %swap3A_313 {strides = array<i32>} : memref<32x128xf32, #tpu.memory_space<vmem>>, vector<1x16xf32>,
        %mul3A_314 = arith.constant 4 : i32
        %mul3A_315 = arith.muli %mul3A_314, %scan3A_28 : i32
        %get3A_316 = arith.index_cast %mul3A_315 : i32 to index
        %get3A_317 = arith.constant 112 : index
        %get3A_318 = tpu.vector_load %arg6[%get3A_316, %get3A_317] {strides = array<i32>} : memref<128x128xf32, #tpu.memory_space<vmem>>, vector<1x16xf32>,
        %get3A_319 = vector.shape_cast %get3A_318 : vector<1x16xf32> to vector<16xf32>
        %mul3A_320 = arith.constant 4 : i32
        %mul3A_321 = arith.muli %mul3A_320, %scan3A_28 : i32
        %add3A_322 = arith.constant 1 : i32
        %add3A_323 = arith.addi %mul3A_321, %add3A_322 : i32
        %get3A_324 = arith.index_cast %add3A_323 : i32 to index
        %get3A_325 = arith.constant 112 : index
        %get3A_326 = tpu.vector_load %arg6[%get3A_324, %get3A_325] {strides = array<i32>} : memref<128x128xf32, #tpu.memory_space<vmem>>, vector<1x16xf32>,
        %get3A_327 = vector.shape_cast %get3A_326 : vector<1x16xf32> to vector<16xf32>
        %add3A_328 = arith.addf %get3A_319, %get3A_327 : vector<16xf32>
        %mul3A_329 = arith.constant 4 : i32
        %mul3A_330 = arith.muli %mul3A_329, %scan3A_28 : i32
        %add3A_331 = arith.constant 2 : i32
        %add3A_332 = arith.addi %mul3A_330, %add3A_331 : i32
        %get3A_333 = arith.index_cast %add3A_332 : i32 to index
        %get3A_334 = arith.constant 112 : index
        %get3A_335 = tpu.vector_load %arg6[%get3A_333, %get3A_334] {strides = array<i32>} : memref<128x128xf32, #tpu.memory_space<vmem>>, vector<1x16xf32>,
        %get3A_336 = vector.shape_cast %get3A_335 : vector<1x16xf32> to vector<16xf32>
        %mul3A_337 = arith.constant 4 : i32
        %mul3A_338 = arith.muli %mul3A_337, %scan3A_28 : i32
        %add3A_339 = arith.constant 3 : i32
        %add3A_340 = arith.addi %mul3A_338, %add3A_339 : i32
        %get3A_341 = arith.index_cast %add3A_340 : i32 to index
        %get3A_342 = arith.constant 112 : index
        %get3A_343 = tpu.vector_load %arg6[%get3A_341, %get3A_342] {strides = array<i32>} : memref<128x128xf32, #tpu.memory_space<vmem>>, vector<1x16xf32>,
        %get3A_344 = vector.shape_cast %get3A_343 : vector<1x16xf32> to vector<16xf32>
        %add3A_345 = arith.addf %get3A_336, %get3A_344 : vector<16xf32>
        %add3A_346 = arith.addf %add3A_328, %add3A_345 : vector<16xf32>
        %mul3A_347 = arith.constant 2.500000e-01 : f32
        %mul3A_348 = vector.broadcast %mul3A_347 : f32 to vector<16xf32>
        %mul3A_349 = arith.mulf %add3A_346, %mul3A_348 : vector<16xf32>
        %swap3A_350 = arith.index_cast %scan3A_28 : i32 to index
        %swap3A_351 = arith.constant 112 : index
        %swap3A_352 = tpu.vector_load %arg7[%swap3A_350, %swap3A_351] {strides = array<i32>} : memref<32x128xf32, #tpu.memory_space<vmem>>, vector<1x16xf32>,
        %swap3A_353 = vector.shape_cast %swap3A_352 : vector<1x16xf32> to vector<16xf32>
        %swap3A_354 = vector.shape_cast %mul3A_349 : vector<16xf32> to vector<1x16xf32>
        tpu.vector_store %arg7[%swap3A_350, %swap3A_351], %swap3A_354 {strides = array<i32>} : memref<32x128xf32, #tpu.memory_space<vmem>>, vector<1x16xf32>,
      }
      %scan3A_22 = arith.constant 32 : i32
      %mul3A_23 = arith.constant 320 : i32
      %mul3A_24 = arith.muli %add3A, %mul3A_23 : i32
      %mul3A_25 = arith.constant 32 : i32
      %mul3A_26 = arith.muli %scan3A_6, %mul3A_25 : i32
      %add3A_27 = arith.addi %mul3A_24, %mul3A_26 : i32
      "tpu.region"() ({
        %run_scoped3A = tpu.sem_alloc : memref<!tpu.dma_semaphore, #tpu.memory_space<semaphore_mem>>
        %dma_start3A_28 = arith.constant 0 : i32
        %dma_start3A_29 = tpu.memref_slice %arg4[%add3A_27, %dma_start3A_28] : memref<10240x128xf32, #tpu.memory_space<hbm>> -> memref<32x128xf32, #tpu.memory_space<hbm>>
        %dma_start3A_30 = arith.constant 0 : i32
        %dma_start3A_31 = tpu.memref_slice %arg4[%add3A_27, %dma_start3A_30] : memref<10240x128xf32, #tpu.memory_space<hbm>> -> memref<32x128xf32, #tpu.memory_space<hbm>>
        tpu.enqueue_dma source(%arg7 : memref<32x128xf32, #tpu.memory_space<vmem>>) target(%dma_start3A_31 : memref<32x128xf32, #tpu.memory_space<hbm>>) target_semaphore(%run_scoped3A : memref<!tpu.dma_semaphore, #tpu.memory_space<semaphore_mem>>)
        %dma_wait3A_32 = arith.constant 0 : i32
        %dma_wait3A_33 = tpu.memref_slice %arg4[%add3A_27, %dma_wait3A_32] : memref<10240x128xf32, #tpu.memory_space<hbm>> -> memref<32x128xf32, #tpu.memory_space<hbm>>
        %dma_wait3A_34 = arith.constant 0 : i32
        %dma_wait3A_35 = tpu.memref_slice %arg4[%add3A_27, %dma_wait3A_34] : memref<10240x128xf32, #tpu.memory_space<hbm>> -> memref<32x128xf32, #tpu.memory_space<hbm>>
        tpu.wait_dma2 semaphore(%run_scoped3A : memref<!tpu.dma_semaphore, #tpu.memory_space<semaphore_mem>>) src(%arg7 : memref<32x128xf32, #tpu.memory_space<vmem>>) dst(%dma_wait3A_35 : memref<32x128xf32, #tpu.memory_space<hbm>>)
        tpu.yield
      }) : () -> ()
    }
    %scan3A_5 = arith.constant 10 : i32
    return
  }
}

module attributes {stable_mosaic.version = 14 : i64} {
  func.func @_knn_body(%arg0: i32, %arg1: memref<400x3xf32, #tpu.memory_space<vmem>>, %arg2: memref<3x10000xf32, #tpu.memory_space<vmem>>, %arg3: memref<400x4xi32, #tpu.memory_space<vmem>>) attributes {dimension_semantics = [#tpu.dimension_semantics<arbitrary>], iteration_bounds = array<i64: 25>, scalar_prefetch = 0 : i64, scratch_operands = 0 : i64, tpu.core_type = #tpu.core_type<tc>, window_params = [{transform_indices = @transform_0, window_bounds = array<i64: 400, 3>}, {pipeline_mode = #tpu.pipeline_mode<synchronous>, transform_indices = @transform_1, window_bounds = array<i64: 3, 10000>}, {transform_indices = @transform_2, window_bounds = array<i64: 400, 4>}]} {
    %get3A = arith.constant 0 : index
    %get3A_0 = arith.constant 0 : index
    %get3A_1 = vector.load %arg1[%get3A, %get3A_0] : memref<400x3xf32, #tpu.memory_space<vmem>>, vector<400x3xf32>
    %get3A_2 = arith.constant 0 : index
    %get3A_3 = arith.constant 0 : index
    %get3A_4 = vector.load %arg2[%get3A_2, %get3A_3] : memref<3x10000xf32, #tpu.memory_space<vmem>>, vector<3x10000xf32>
    %mul3A = arith.mulf %get3A_1, %get3A_1 : vector<400x3xf32>
    %reduce_sum3A = arith.constant dense<0.000000e+00> : vector<400xf32>
    %reduce_sum3A_5 = vector.multi_reduction <add>, %mul3A, %reduce_sum3A [1] : vector<400x3xf32> to vector<400xf32>
    %broadcast_in_dim3A = vector.shape_cast %reduce_sum3A_5 : vector<400xf32> to vector<400x1xf32>
    %mul3A_6 = arith.mulf %get3A_4, %get3A_4 : vector<3x10000xf32>
    %reduce_sum3A_7 = arith.constant dense<0.000000e+00> : vector<10000xf32>
    %reduce_sum3A_8 = vector.multi_reduction <add>, %mul3A_6, %reduce_sum3A_7 [0] : vector<3x10000xf32> to vector<10000xf32>
    %broadcast_in_dim3A_9 = vector.shape_cast %reduce_sum3A_8 : vector<10000xf32> to vector<1x10000xf32>
    %dot_general3A = arith.constant dense<0.000000e+00> : vector<400x10000xf32>
    %dot_general3A_10 = tpu.matmul %get3A_1, %get3A_4, %dot_general3A {dimension_numbers = #tpu.dot_dimension_numbers<[1], [0], [0], [1], [0, 0, 1, 1], [], []>, transpose_lhs_hint = false} : vector<400x3xf32>, vector<3x10000xf32>, vector<400x10000xf32> -> vector<400x10000xf32>
    %add3A = vector.broadcast %broadcast_in_dim3A : vector<400x1xf32> to vector<400x10000xf32>
    %add3A_11 = vector.broadcast %broadcast_in_dim3A_9 : vector<1x10000xf32> to vector<400x10000xf32>
    %add3A_12 = arith.addf %add3A, %add3A_11 : vector<400x10000xf32>
    %mul3A_13 = arith.constant 2.000000e+00 : f32
    %mul3A_14 = vector.broadcast %mul3A_13 : f32 to vector<400x10000xf32>
    %mul3A_15 = arith.mulf %mul3A_14, %dot_general3A_10 : vector<400x10000xf32>
    %sub3A = arith.subf %add3A_12, %mul3A_15 : vector<400x10000xf32>
    %iota3A = tpu.iota {dimensions = array<i32: 0>} : vector<400x10000xi32>
    %mul3A_16 = arith.constant 400 : i32
    %mul3A_17 = arith.muli %arg0, %mul3A_16 : i32
    %add3A_18 = vector.broadcast %mul3A_17 : i32 to vector<400x10000xi32>
    %add3A_19 = arith.addi %iota3A, %add3A_18 : vector<400x10000xi32>
    %iota3A_20 = tpu.iota {dimensions = array<i32: 1>} : vector<400x10000xi32>
    %eq3A = arith.cmpi eq, %iota3A_20, %add3A_19 : vector<400x10000xi32>
    %jit3A = arith.constant 3.000000e+38 : f32
    %broadcast_in_dim3A_21 = vector.broadcast %jit3A : f32 to vector<400x10000xf32>
    %select_n3A = arith.select %eq3A, %broadcast_in_dim3A_21, %sub3A : vector<400x10000xi1>, vector<400x10000xf32>
    %reduce_min3A = arith.constant dense<0x7F800000> : vector<400xf32>
    %reduce_min3A_22 = vector.multi_reduction <minimumf>, %select_n3A, %reduce_min3A [1] : vector<400x10000xf32> to vector<400xf32>
    %broadcast_in_dim3A_23 = vector.shape_cast %reduce_min3A_22 : vector<400xf32> to vector<400x1xf32>
    %le3A = vector.broadcast %broadcast_in_dim3A_23 : vector<400x1xf32> to vector<400x10000xf32>
    %le3A_24 = arith.cmpf ole, %select_n3A, %le3A : vector<400x10000xf32>
    %jit3A_25 = arith.constant 10000 : i32
    %broadcast_in_dim3A_26 = vector.broadcast %jit3A_25 : i32 to vector<400x10000xi32>
    %select_n3A_27 = arith.select %le3A_24, %iota3A_20, %broadcast_in_dim3A_26 : vector<400x10000xi1>, vector<400x10000xi32>
    %reduce_min3A_28 = arith.constant dense<2147483647> : vector<400xi32>
    %reduce_min3A_29 = vector.multi_reduction <minsi>, %select_n3A_27, %reduce_min3A_28 [1] : vector<400x10000xi32> to vector<400xi32>
    %broadcast_in_dim3A_30 = vector.shape_cast %reduce_min3A_29 : vector<400xi32> to vector<400x1xi32>
    %eq3A_31 = vector.broadcast %broadcast_in_dim3A_30 : vector<400x1xi32> to vector<400x10000xi32>
    %eq3A_32 = arith.cmpi eq, %iota3A_20, %eq3A_31 : vector<400x10000xi32>
    %jit3A_33 = arith.constant 3.000000e+38 : f32
    %broadcast_in_dim3A_34 = vector.broadcast %jit3A_33 : f32 to vector<400x10000xf32>
    %select_n3A_35 = arith.select %eq3A_32, %broadcast_in_dim3A_34, %select_n3A : vector<400x10000xi1>, vector<400x10000xf32>
    %reduce_min3A_36 = arith.constant dense<0x7F800000> : vector<400xf32>
    %reduce_min3A_37 = vector.multi_reduction <minimumf>, %select_n3A_35, %reduce_min3A_36 [1] : vector<400x10000xf32> to vector<400xf32>
    %broadcast_in_dim3A_38 = vector.shape_cast %reduce_min3A_37 : vector<400xf32> to vector<400x1xf32>
    %le3A_39 = vector.broadcast %broadcast_in_dim3A_38 : vector<400x1xf32> to vector<400x10000xf32>
    %le3A_40 = arith.cmpf ole, %select_n3A_35, %le3A_39 : vector<400x10000xf32>
    %jit3A_41 = arith.constant 10000 : i32
    %broadcast_in_dim3A_42 = vector.broadcast %jit3A_41 : i32 to vector<400x10000xi32>
    %select_n3A_43 = arith.select %le3A_40, %iota3A_20, %broadcast_in_dim3A_42 : vector<400x10000xi1>, vector<400x10000xi32>
    %reduce_min3A_44 = arith.constant dense<2147483647> : vector<400xi32>
    %reduce_min3A_45 = vector.multi_reduction <minsi>, %select_n3A_43, %reduce_min3A_44 [1] : vector<400x10000xi32> to vector<400xi32>
    %broadcast_in_dim3A_46 = vector.shape_cast %reduce_min3A_45 : vector<400xi32> to vector<400x1xi32>
    %eq3A_47 = vector.broadcast %broadcast_in_dim3A_46 : vector<400x1xi32> to vector<400x10000xi32>
    %eq3A_48 = arith.cmpi eq, %iota3A_20, %eq3A_47 : vector<400x10000xi32>
    %jit3A_49 = arith.constant 3.000000e+38 : f32
    %broadcast_in_dim3A_50 = vector.broadcast %jit3A_49 : f32 to vector<400x10000xf32>
    %select_n3A_51 = arith.select %eq3A_48, %broadcast_in_dim3A_50, %select_n3A_35 : vector<400x10000xi1>, vector<400x10000xf32>
    %reduce_min3A_52 = arith.constant dense<0x7F800000> : vector<400xf32>
    %reduce_min3A_53 = vector.multi_reduction <minimumf>, %select_n3A_51, %reduce_min3A_52 [1] : vector<400x10000xf32> to vector<400xf32>
    %broadcast_in_dim3A_54 = vector.shape_cast %reduce_min3A_53 : vector<400xf32> to vector<400x1xf32>
    %le3A_55 = vector.broadcast %broadcast_in_dim3A_54 : vector<400x1xf32> to vector<400x10000xf32>
    %le3A_56 = arith.cmpf ole, %select_n3A_51, %le3A_55 : vector<400x10000xf32>
    %jit3A_57 = arith.constant 10000 : i32
    %broadcast_in_dim3A_58 = vector.broadcast %jit3A_57 : i32 to vector<400x10000xi32>
    %select_n3A_59 = arith.select %le3A_56, %iota3A_20, %broadcast_in_dim3A_58 : vector<400x10000xi1>, vector<400x10000xi32>
    %reduce_min3A_60 = arith.constant dense<2147483647> : vector<400xi32>
    %reduce_min3A_61 = vector.multi_reduction <minsi>, %select_n3A_59, %reduce_min3A_60 [1] : vector<400x10000xi32> to vector<400xi32>
    %broadcast_in_dim3A_62 = vector.shape_cast %reduce_min3A_61 : vector<400xi32> to vector<400x1xi32>
    %eq3A_63 = vector.broadcast %broadcast_in_dim3A_62 : vector<400x1xi32> to vector<400x10000xi32>
    %eq3A_64 = arith.cmpi eq, %iota3A_20, %eq3A_63 : vector<400x10000xi32>
    %jit3A_65 = arith.constant 3.000000e+38 : f32
    %broadcast_in_dim3A_66 = vector.broadcast %jit3A_65 : f32 to vector<400x10000xf32>
    %select_n3A_67 = arith.select %eq3A_64, %broadcast_in_dim3A_66, %select_n3A_51 : vector<400x10000xi1>, vector<400x10000xf32>
    %reduce_min3A_68 = arith.constant dense<0x7F800000> : vector<400xf32>
    %reduce_min3A_69 = vector.multi_reduction <minimumf>, %select_n3A_67, %reduce_min3A_68 [1] : vector<400x10000xf32> to vector<400xf32>
    %broadcast_in_dim3A_70 = vector.shape_cast %reduce_min3A_69 : vector<400xf32> to vector<400x1xf32>
    %le3A_71 = vector.broadcast %broadcast_in_dim3A_70 : vector<400x1xf32> to vector<400x10000xf32>
    %le3A_72 = arith.cmpf ole, %select_n3A_67, %le3A_71 : vector<400x10000xf32>
    %jit3A_73 = arith.constant 10000 : i32
    %broadcast_in_dim3A_74 = vector.broadcast %jit3A_73 : i32 to vector<400x10000xi32>
    %select_n3A_75 = arith.select %le3A_72, %iota3A_20, %broadcast_in_dim3A_74 : vector<400x10000xi1>, vector<400x10000xi32>
    %reduce_min3A_76 = arith.constant dense<2147483647> : vector<400xi32>
    %reduce_min3A_77 = vector.multi_reduction <minsi>, %select_n3A_75, %reduce_min3A_76 [1] : vector<400x10000xi32> to vector<400xi32>
    %broadcast_in_dim3A_78 = vector.shape_cast %reduce_min3A_77 : vector<400xi32> to vector<400x1xi32>
    %concatenate3A = tpu.concatenate %broadcast_in_dim3A_30, %broadcast_in_dim3A_46, %broadcast_in_dim3A_62, %broadcast_in_dim3A_78 in 1 : vector<400x1xi32>, vector<400x1xi32>, vector<400x1xi32>, vector<400x1xi32> -> vector<400x4xi32>
    %swap3A = arith.constant 0 : index
    %swap3A_79 = arith.constant 0 : index
    %swap3A_80 = vector.load %arg3[%swap3A, %swap3A_79] : memref<400x4xi32, #tpu.memory_space<vmem>>, vector<400x4xi32>
    tpu.vector_store %arg3[%swap3A, %swap3A_79], %concatenate3A {strides = array<i32>} : memref<400x4xi32, #tpu.memory_space<vmem>>, vector<400x4xi32>,
    return
  }
  func.func @transform_0(%arg0: i32) -> (i32, i32) {
    %c0_i32 = arith.constant 0 : i32
    %c0_i32_0 = arith.constant 0 : i32
    return %arg0, %c0_i32 : i32, i32
  }
  func.func @transform_1(%arg0: i32) -> (i32, i32) {
    %c0_i32 = arith.constant 0 : i32
    %c0_i32_0 = arith.constant 0 : i32
    %c0_i32_1 = arith.constant 0 : i32
    return %c0_i32, %c0_i32_0 : i32, i32
  }
  func.func @transform_2(%arg0: i32) -> (i32, i32) {
    %c0_i32 = arith.constant 0 : i32
    %c0_i32_0 = arith.constant 0 : i32
    return %arg0, %c0_i32 : i32, i32
  }
}

module attributes {stable_mosaic.version = 14 : i64} {
  func.func @_enc_body(%arg0: memref<10000x16xf32, #tpu.memory_space<vmem>>, %arg1: memref<16x128xf32, #tpu.memory_space<vmem>>, %arg2: memref<1x128xf32, #tpu.memory_space<vmem>>, %arg3: memref<128x128xf32, #tpu.memory_space<vmem>>, %arg4: memref<1x128xf32, #tpu.memory_space<vmem>>, %arg5: memref<10000x128xf32, #tpu.memory_space<vmem>>) attributes {dimension_semantics = [], scalar_prefetch = 0 : i64, scratch_operands = 0 : i64, tpu.core_type = #tpu.core_type<tc>} {
    %get3A = arith.constant 0 : index
    %get3A_0 = arith.constant 0 : index
    %get3A_1 = vector.load %arg0[%get3A, %get3A_0] : memref<10000x16xf32, #tpu.memory_space<vmem>>, vector<10000x16xf32>
    %get3A_2 = arith.constant 0 : index
    %get3A_3 = arith.constant 0 : index
    %get3A_4 = vector.load %arg1[%get3A_2, %get3A_3] : memref<16x128xf32, #tpu.memory_space<vmem>>, vector<16x128xf32>
    %dot_general3A = arith.constant dense<0.000000e+00> : vector<10000x128xf32>
    %dot_general3A_5 = tpu.matmul %get3A_1, %get3A_4, %dot_general3A {dimension_numbers = #tpu.dot_dimension_numbers<[1], [0], [0], [1], [0, 0, 1, 1], [], []>, transpose_lhs_hint = false} : vector<10000x16xf32>, vector<16x128xf32>, vector<10000x128xf32> -> vector<10000x128xf32>
    %get3A_6 = arith.constant 0 : index
    %get3A_7 = arith.constant 0 : index
    %get3A_8 = vector.load %arg2[%get3A_6, %get3A_7] : memref<1x128xf32, #tpu.memory_space<vmem>>, vector<1x128xf32>
    %add3A = vector.broadcast %get3A_8 : vector<1x128xf32> to vector<10000x128xf32>
    %add3A_9 = arith.addf %dot_general3A_5, %add3A : vector<10000x128xf32>
    %max3A = arith.constant 0.000000e+00 : f32
    %max3A_10 = vector.broadcast %max3A : f32 to vector<10000x128xf32>
    %max3A_11 = arith.maximumf %add3A_9, %max3A_10 : vector<10000x128xf32>
    %get3A_12 = arith.constant 0 : index
    %get3A_13 = arith.constant 0 : index
    %get3A_14 = vector.load %arg3[%get3A_12, %get3A_13] : memref<128x128xf32, #tpu.memory_space<vmem>>, vector<128x128xf32>
    %dot_general3A_15 = arith.constant dense<0.000000e+00> : vector<10000x128xf32>
    %dot_general3A_16 = tpu.matmul %max3A_11, %get3A_14, %dot_general3A_15 {dimension_numbers = #tpu.dot_dimension_numbers<[1], [0], [0], [1], [0, 0, 1, 1], [], []>, transpose_lhs_hint = false} : vector<10000x128xf32>, vector<128x128xf32>, vector<10000x128xf32> -> vector<10000x128xf32>
    %get3A_17 = arith.constant 0 : index
    %get3A_18 = arith.constant 0 : index
    %get3A_19 = vector.load %arg4[%get3A_17, %get3A_18] : memref<1x128xf32, #tpu.memory_space<vmem>>, vector<1x128xf32>
    %add3A_20 = vector.broadcast %get3A_19 : vector<1x128xf32> to vector<10000x128xf32>
    %add3A_21 = arith.addf %dot_general3A_16, %add3A_20 : vector<10000x128xf32>
    %swap3A = arith.constant 0 : index
    %swap3A_22 = arith.constant 0 : index
    %swap3A_23 = vector.load %arg5[%swap3A, %swap3A_22] : memref<10000x128xf32, #tpu.memory_space<vmem>>, vector<10000x128xf32>
    tpu.vector_store %arg5[%swap3A, %swap3A_22], %add3A_21 {strides = array<i32>} : memref<10000x128xf32, #tpu.memory_space<vmem>>, vector<10000x128xf32>,
    return
  }
}

module attributes {stable_mosaic.version = 14 : i64} {
  func.func @_gnn_body(%arg0: memref<10000x128xf32, #tpu.memory_space<vmem>>, %arg1: memref<10000x128xf32, #tpu.memory_space<vmem>>, %arg2: memref<128x128xf32, #tpu.memory_space<vmem>>, %arg3: memref<128x128xf32, #tpu.memory_space<vmem>>, %arg4: memref<1x128xf32, #tpu.memory_space<vmem>>, %arg5: memref<10000x128xf32, #tpu.memory_space<vmem>>) attributes {dimension_semantics = [], scalar_prefetch = 0 : i64, scratch_operands = 0 : i64, tpu.core_type = #tpu.core_type<tc>} {
    %get3A = arith.constant 0 : index
    %get3A_0 = arith.constant 0 : index
    %get3A_1 = vector.load %arg0[%get3A, %get3A_0] : memref<10000x128xf32, #tpu.memory_space<vmem>>, vector<10000x128xf32>
    %get3A_2 = arith.constant 0 : index
    %get3A_3 = arith.constant 0 : index
    %get3A_4 = vector.load %arg2[%get3A_2, %get3A_3] : memref<128x128xf32, #tpu.memory_space<vmem>>, vector<128x128xf32>
    %dot_general3A = arith.constant dense<0.000000e+00> : vector<10000x128xf32>
    %dot_general3A_5 = tpu.matmul %get3A_1, %get3A_4, %dot_general3A {dimension_numbers = #tpu.dot_dimension_numbers<[1], [0], [0], [1], [0, 0, 1, 1], [], []>, transpose_lhs_hint = false} : vector<10000x128xf32>, vector<128x128xf32>, vector<10000x128xf32> -> vector<10000x128xf32>
    %get3A_6 = arith.constant 0 : index
    %get3A_7 = arith.constant 0 : index
    %get3A_8 = vector.load %arg1[%get3A_6, %get3A_7] : memref<10000x128xf32, #tpu.memory_space<vmem>>, vector<10000x128xf32>
    %get3A_9 = arith.constant 0 : index
    %get3A_10 = arith.constant 0 : index
    %get3A_11 = vector.load %arg3[%get3A_9, %get3A_10] : memref<128x128xf32, #tpu.memory_space<vmem>>, vector<128x128xf32>
    %dot_general3A_12 = arith.constant dense<0.000000e+00> : vector<10000x128xf32>
    %dot_general3A_13 = tpu.matmul %get3A_8, %get3A_11, %dot_general3A_12 {dimension_numbers = #tpu.dot_dimension_numbers<[1], [0], [0], [1], [0, 0, 1, 1], [], []>, transpose_lhs_hint = false} : vector<10000x128xf32>, vector<128x128xf32>, vector<10000x128xf32> -> vector<10000x128xf32>
    %add3A = arith.addf %dot_general3A_5, %dot_general3A_13 : vector<10000x128xf32>
    %get3A_14 = arith.constant 0 : index
    %get3A_15 = arith.constant 0 : index
    %get3A_16 = vector.load %arg4[%get3A_14, %get3A_15] : memref<1x128xf32, #tpu.memory_space<vmem>>, vector<1x128xf32>
    %add3A_17 = vector.broadcast %get3A_16 : vector<1x128xf32> to vector<10000x128xf32>
    %add3A_18 = arith.addf %add3A, %add3A_17 : vector<10000x128xf32>
    %max3A = arith.constant 0.000000e+00 : f32
    %max3A_19 = vector.broadcast %max3A : f32 to vector<10000x128xf32>
    %max3A_20 = arith.maximumf %add3A_18, %max3A_19 : vector<10000x128xf32>
    %add3A_21 = arith.addf %get3A_1, %max3A_20 : vector<10000x128xf32>
    %swap3A = arith.constant 0 : index
    %swap3A_22 = arith.constant 0 : index
    %swap3A_23 = vector.load %arg5[%swap3A, %swap3A_22] : memref<10000x128xf32, #tpu.memory_space<vmem>>, vector<10000x128xf32>
    tpu.vector_store %arg5[%swap3A, %swap3A_22], %add3A_21 {strides = array<i32>} : memref<10000x128xf32, #tpu.memory_space<vmem>>, vector<10000x128xf32>,
    return
  }
}

module attributes {stable_mosaic.version = 14 : i64} {
  func.func @_kv_body(%arg0: memref<10000x128xf32, #tpu.memory_space<vmem>>, %arg1: memref<10000x3xf32, #tpu.memory_space<vmem>>, %arg2: memref<128x128xf32, #tpu.memory_space<vmem>>, %arg3: memref<3x128xf32, #tpu.memory_space<vmem>>, %arg4: memref<1x128xf32, #tpu.memory_space<vmem>>, %arg5: memref<128x128xf32, #tpu.memory_space<vmem>>, %arg6: memref<3x128xf32, #tpu.memory_space<vmem>>, %arg7: memref<1x128xf32, #tpu.memory_space<vmem>>, %arg8: memref<10000x128xf32, #tpu.memory_space<vmem>>, %arg9: memref<10000x128xf32, #tpu.memory_space<vmem>>) attributes {dimension_semantics = [], scalar_prefetch = 0 : i64, scratch_operands = 0 : i64, tpu.core_type = #tpu.core_type<tc>} {
    %get3A = arith.constant 0 : index
    %get3A_0 = arith.constant 0 : index
    %get3A_1 = vector.load %arg0[%get3A, %get3A_0] : memref<10000x128xf32, #tpu.memory_space<vmem>>, vector<10000x128xf32>
    %get3A_2 = arith.constant 0 : index
    %get3A_3 = arith.constant 0 : index
    %get3A_4 = vector.load %arg1[%get3A_2, %get3A_3] : memref<10000x3xf32, #tpu.memory_space<vmem>>, vector<10000x3xf32>
    %get3A_5 = arith.constant 0 : index
    %get3A_6 = arith.constant 0 : index
    %get3A_7 = vector.load %arg2[%get3A_5, %get3A_6] : memref<128x128xf32, #tpu.memory_space<vmem>>, vector<128x128xf32>
    %dot_general3A = arith.constant dense<0.000000e+00> : vector<10000x128xf32>
    %dot_general3A_8 = tpu.matmul %get3A_1, %get3A_7, %dot_general3A {dimension_numbers = #tpu.dot_dimension_numbers<[1], [0], [0], [1], [0, 0, 1, 1], [], []>, transpose_lhs_hint = false} : vector<10000x128xf32>, vector<128x128xf32>, vector<10000x128xf32> -> vector<10000x128xf32>
    %get3A_9 = arith.constant 0 : index
    %get3A_10 = arith.constant 0 : index
    %get3A_11 = vector.load %arg3[%get3A_9, %get3A_10] : memref<3x128xf32, #tpu.memory_space<vmem>>, vector<3x128xf32>
    %dot_general3A_12 = arith.constant dense<0.000000e+00> : vector<10000x128xf32>
    %dot_general3A_13 = tpu.matmul %get3A_4, %get3A_11, %dot_general3A_12 {dimension_numbers = #tpu.dot_dimension_numbers<[1], [0], [0], [1], [0, 0, 1, 1], [], []>, transpose_lhs_hint = false} : vector<10000x3xf32>, vector<3x128xf32>, vector<10000x128xf32> -> vector<10000x128xf32>
    %add3A = arith.addf %dot_general3A_8, %dot_general3A_13 : vector<10000x128xf32>
    %get3A_14 = arith.constant 0 : index
    %get3A_15 = arith.constant 0 : index
    %get3A_16 = vector.load %arg4[%get3A_14, %get3A_15] : memref<1x128xf32, #tpu.memory_space<vmem>>, vector<1x128xf32>
    %add3A_17 = vector.broadcast %get3A_16 : vector<1x128xf32> to vector<10000x128xf32>
    %add3A_18 = arith.addf %add3A, %add3A_17 : vector<10000x128xf32>
    %swap3A = arith.constant 0 : index
    %swap3A_19 = arith.constant 0 : index
    %swap3A_20 = vector.load %arg8[%swap3A, %swap3A_19] : memref<10000x128xf32, #tpu.memory_space<vmem>>, vector<10000x128xf32>
    tpu.vector_store %arg8[%swap3A, %swap3A_19], %add3A_18 {strides = array<i32>} : memref<10000x128xf32, #tpu.memory_space<vmem>>, vector<10000x128xf32>,
    %get3A_21 = arith.constant 0 : index
    %get3A_22 = arith.constant 0 : index
    %get3A_23 = vector.load %arg5[%get3A_21, %get3A_22] : memref<128x128xf32, #tpu.memory_space<vmem>>, vector<128x128xf32>
    %dot_general3A_24 = arith.constant dense<0.000000e+00> : vector<10000x128xf32>
    %dot_general3A_25 = tpu.matmul %get3A_1, %get3A_23, %dot_general3A_24 {dimension_numbers = #tpu.dot_dimension_numbers<[1], [0], [0], [1], [0, 0, 1, 1], [], []>, transpose_lhs_hint = false} : vector<10000x128xf32>, vector<128x128xf32>, vector<10000x128xf32> -> vector<10000x128xf32>
    %get3A_26 = arith.constant 0 : index
    %get3A_27 = arith.constant 0 : index
    %get3A_28 = vector.load %arg6[%get3A_26, %get3A_27] : memref<3x128xf32, #tpu.memory_space<vmem>>, vector<3x128xf32>
    %dot_general3A_29 = arith.constant dense<0.000000e+00> : vector<10000x128xf32>
    %dot_general3A_30 = tpu.matmul %get3A_4, %get3A_28, %dot_general3A_29 {dimension_numbers = #tpu.dot_dimension_numbers<[1], [0], [0], [1], [0, 0, 1, 1], [], []>, transpose_lhs_hint = false} : vector<10000x3xf32>, vector<3x128xf32>, vector<10000x128xf32> -> vector<10000x128xf32>
    %add3A_31 = arith.addf %dot_general3A_25, %dot_general3A_30 : vector<10000x128xf32>
    %get3A_32 = arith.constant 0 : index
    %get3A_33 = arith.constant 0 : index
    %get3A_34 = vector.load %arg7[%get3A_32, %get3A_33] : memref<1x128xf32, #tpu.memory_space<vmem>>, vector<1x128xf32>
    %add3A_35 = vector.broadcast %get3A_34 : vector<1x128xf32> to vector<10000x128xf32>
    %add3A_36 = arith.addf %add3A_31, %add3A_35 : vector<10000x128xf32>
    %swap3A_37 = arith.constant 0 : index
    %swap3A_38 = arith.constant 0 : index
    %swap3A_39 = vector.load %arg9[%swap3A_37, %swap3A_38] : memref<10000x128xf32, #tpu.memory_space<vmem>>, vector<10000x128xf32>
    tpu.vector_store %arg9[%swap3A_37, %swap3A_38], %add3A_36 {strides = array<i32>} : memref<10000x128xf32, #tpu.memory_space<vmem>>, vector<10000x128xf32>,
    return
  }
}

module attributes {stable_mosaic.version = 14 : i64} {
  func.func @_attn_body(%arg0: i32, %arg1: memref<256x3xf32, #tpu.memory_space<vmem>>, %arg2: memref<3x128xf32, #tpu.memory_space<vmem>>, %arg3: memref<1x128xf32, #tpu.memory_space<vmem>>, %arg4: memref<10000x128xf32, #tpu.memory_space<vmem>>, %arg5: memref<10000x128xf32, #tpu.memory_space<vmem>>, %arg6: memref<3x10000xf32, #tpu.memory_space<vmem>>, %arg7: memref<3x1xf32, #tpu.memory_space<vmem>>, %arg8: memref<128x128xf32, #tpu.memory_space<vmem>>, %arg9: memref<1x128xf32, #tpu.memory_space<vmem>>, %arg10: memref<128x4xf32, #tpu.memory_space<vmem>>, %arg11: memref<1x4xf32, #tpu.memory_space<vmem>>, %arg12: memref<256x4xf32, #tpu.memory_space<vmem>>) attributes {dimension_semantics = [#tpu.dimension_semantics<arbitrary>], iteration_bounds = array<i64: 8>, scalar_prefetch = 0 : i64, scratch_operands = 0 : i64, tpu.core_type = #tpu.core_type<tc>, window_params = [{transform_indices = @transform_0, window_bounds = array<i64: 256, 3>}, {pipeline_mode = #tpu.pipeline_mode<synchronous>, transform_indices = @transform_1, window_bounds = array<i64: 3, 128>}, {pipeline_mode = #tpu.pipeline_mode<synchronous>, transform_indices = @transform_2, window_bounds = array<i64: 1, 128>}, {pipeline_mode = #tpu.pipeline_mode<synchronous>, transform_indices = @transform_3, window_bounds = array<i64: 10000, 128>}, {pipeline_mode = #tpu.pipeline_mode<synchronous>, transform_indices = @transform_4, window_bounds = array<i64: 10000, 128>}, {pipeline_mode = #tpu.pipeline_mode<synchronous>, transform_indices = @transform_5, window_bounds = array<i64: 3, 10000>}, {pipeline_mode = #tpu.pipeline_mode<synchronous>, transform_indices = @transform_6, window_bounds = array<i64: 3, 1>}, {pipeline_mode = #tpu.pipeline_mode<synchronous>, transform_indices = @transform_7, window_bounds = array<i64: 128, 128>}, {pipeline_mode = #tpu.pipeline_mode<synchronous>, transform_indices = @transform_8, window_bounds = array<i64: 1, 128>}, {pipeline_mode = #tpu.pipeline_mode<synchronous>, transform_indices = @transform_9, window_bounds = array<i64: 128, 4>}, {pipeline_mode = #tpu.pipeline_mode<synchronous>, transform_indices = @transform_10, window_bounds = array<i64: 1, 4>}, {transform_indices = @transform_11, window_bounds = array<i64: 256, 4>}]} {
    %get3A = arith.constant 0 : index
    %get3A_0 = arith.constant 0 : index
    %get3A_1 = vector.load %arg1[%get3A, %get3A_0] : memref<256x3xf32, #tpu.memory_space<vmem>>, vector<256x3xf32>
    %get3A_2 = arith.constant 0 : index
    %get3A_3 = arith.constant 0 : index
    %get3A_4 = vector.load %arg2[%get3A_2, %get3A_3] : memref<3x128xf32, #tpu.memory_space<vmem>>, vector<3x128xf32>
    %dot_general3A = arith.constant dense<0.000000e+00> : vector<256x128xf32>
    %dot_general3A_5 = tpu.matmul %get3A_1, %get3A_4, %dot_general3A {dimension_numbers = #tpu.dot_dimension_numbers<[1], [0], [0], [1], [0, 0, 1, 1], [], []>, transpose_lhs_hint = false} : vector<256x3xf32>, vector<3x128xf32>, vector<256x128xf32> -> vector<256x128xf32>
    %get3A_6 = arith.constant 0 : index
    %get3A_7 = arith.constant 0 : index
    %get3A_8 = vector.load %arg3[%get3A_6, %get3A_7] : memref<1x128xf32, #tpu.memory_space<vmem>>, vector<1x128xf32>
    %add3A = vector.broadcast %get3A_8 : vector<1x128xf32> to vector<256x128xf32>
    %add3A_9 = arith.addf %dot_general3A_5, %add3A : vector<256x128xf32>
    %get3A_10 = arith.constant 0 : index
    %get3A_11 = arith.constant 0 : index
    %get3A_12 = vector.load %arg4[%get3A_10, %get3A_11] : memref<10000x128xf32, #tpu.memory_space<vmem>>, vector<10000x128xf32>
    %dot_general3A_13 = arith.constant dense<0.000000e+00> : vector<256x10000xf32>
    %dot_general3A_14 = tpu.matmul %add3A_9, %get3A_12, %dot_general3A_13 {dimension_numbers = #tpu.dot_dimension_numbers<[1], [1], [0], [0], [0, 0, 1, 0], [], []>, transpose_lhs_hint = false} : vector<256x128xf32>, vector<10000x128xf32>, vector<256x10000xf32> -> vector<256x10000xf32>
    %mul3A = arith.constant 0.0883883461 : f32
    %mul3A_15 = vector.broadcast %mul3A : f32 to vector<256x10000xf32>
    %mul3A_16 = arith.mulf %dot_general3A_14, %mul3A_15 : vector<256x10000xf32>
    %get3A_17 = arith.constant 0 : index
    %get3A_18 = arith.constant 0 : index
    %get3A_19 = vector.load %arg6[%get3A_17, %get3A_18] : memref<3x10000xf32, #tpu.memory_space<vmem>>, vector<3x10000xf32>
    %get3A_20 = arith.constant 0 : index
    %get3A_21 = arith.constant 0 : index
    %get3A_22 = vector.load %arg7[%get3A_20, %get3A_21] : memref<3x1xf32, #tpu.memory_space<vmem>>, vector<3x1xf32>
    %mul3A_23 = vector.broadcast %get3A_22 : vector<3x1xf32> to vector<3x10000xf32>
    %mul3A_24 = arith.mulf %get3A_19, %mul3A_23 : vector<3x10000xf32>
    %reduce_sum3A = arith.constant dense<0.000000e+00> : vector<10000xf32>
    %reduce_sum3A_25 = vector.multi_reduction <add>, %mul3A_24, %reduce_sum3A [0] : vector<3x10000xf32> to vector<10000xf32>
    %broadcast_in_dim3A = vector.shape_cast %reduce_sum3A_25 : vector<10000xf32> to vector<1x10000xf32>
    %sub3A = vector.broadcast %broadcast_in_dim3A : vector<1x10000xf32> to vector<256x10000xf32>
    %sub3A_26 = arith.subf %mul3A_16, %sub3A : vector<256x10000xf32>
    %reduce_max3A = arith.constant dense<0xFF800000> : vector<256xf32>
    %reduce_max3A_27 = vector.multi_reduction <maximumf>, %sub3A_26, %reduce_max3A [1] : vector<256x10000xf32> to vector<256xf32>
    %broadcast_in_dim3A_28 = vector.shape_cast %reduce_max3A_27 : vector<256xf32> to vector<256x1xf32>
    %sub3A_29 = vector.broadcast %broadcast_in_dim3A_28 : vector<256x1xf32> to vector<256x10000xf32>
    %sub3A_30 = arith.subf %sub3A_26, %sub3A_29 : vector<256x10000xf32>
    %exp3A = math.exp %sub3A_30 : vector<256x10000xf32>
    %reduce_sum3A_31 = arith.constant dense<0.000000e+00> : vector<256xf32>
    %reduce_sum3A_32 = vector.multi_reduction <add>, %exp3A, %reduce_sum3A_31 [1] : vector<256x10000xf32> to vector<256xf32>
    %broadcast_in_dim3A_33 = vector.shape_cast %reduce_sum3A_32 : vector<256xf32> to vector<256x1xf32>
    %div3A = vector.broadcast %broadcast_in_dim3A_33 : vector<256x1xf32> to vector<256x10000xf32>
    %div3A_34 = arith.divf %exp3A, %div3A : vector<256x10000xf32>
    %get3A_35 = arith.constant 0 : index
    %get3A_36 = arith.constant 0 : index
    %get3A_37 = vector.load %arg5[%get3A_35, %get3A_36] : memref<10000x128xf32, #tpu.memory_space<vmem>>, vector<10000x128xf32>
    %dot_general3A_38 = arith.constant dense<0.000000e+00> : vector<256x128xf32>
    %dot_general3A_39 = tpu.matmul %div3A_34, %get3A_37, %dot_general3A_38 {dimension_numbers = #tpu.dot_dimension_numbers<[1], [0], [0], [1], [0, 0, 1, 1], [], []>, transpose_lhs_hint = false} : vector<256x10000xf32>, vector<10000x128xf32>, vector<256x128xf32> -> vector<256x128xf32>
    %get3A_40 = arith.constant 0 : index
    %get3A_41 = arith.constant 0 : index
    %get3A_42 = vector.load %arg8[%get3A_40, %get3A_41] : memref<128x128xf32, #tpu.memory_space<vmem>>, vector<128x128xf32>
    %dot_general3A_43 = arith.constant dense<0.000000e+00> : vector<256x128xf32>
    %dot_general3A_44 = tpu.matmul %dot_general3A_39, %get3A_42, %dot_general3A_43 {dimension_numbers = #tpu.dot_dimension_numbers<[1], [0], [0], [1], [0, 0, 1, 1], [], []>, transpose_lhs_hint = false} : vector<256x128xf32>, vector<128x128xf32>, vector<256x128xf32> -> vector<256x128xf32>
    %get3A_45 = arith.constant 0 : index
    %get3A_46 = arith.constant 0 : index
    %get3A_47 = vector.load %arg9[%get3A_45, %get3A_46] : memref<1x128xf32, #tpu.memory_space<vmem>>, vector<1x128xf32>
    %add3A_48 = vector.broadcast %get3A_47 : vector<1x128xf32> to vector<256x128xf32>
    %add3A_49 = arith.addf %dot_general3A_44, %add3A_48 : vector<256x128xf32>
    %max3A = arith.constant 0.000000e+00 : f32
    %max3A_50 = vector.broadcast %max3A : f32 to vector<256x128xf32>
    %max3A_51 = arith.maximumf %add3A_49, %max3A_50 : vector<256x128xf32>
    %get3A_52 = arith.constant 0 : index
    %get3A_53 = arith.constant 0 : index
    %get3A_54 = vector.load %arg10[%get3A_52, %get3A_53] : memref<128x4xf32, #tpu.memory_space<vmem>>, vector<128x4xf32>
    %dot_general3A_55 = arith.constant dense<0.000000e+00> : vector<256x4xf32>
    %dot_general3A_56 = tpu.matmul %max3A_51, %get3A_54, %dot_general3A_55 {dimension_numbers = #tpu.dot_dimension_numbers<[1], [0], [0], [1], [0, 0, 1, 1], [], []>, transpose_lhs_hint = false} : vector<256x128xf32>, vector<128x4xf32>, vector<256x4xf32> -> vector<256x4xf32>
    %get3A_57 = arith.constant 0 : index
    %get3A_58 = arith.constant 0 : index
    %get3A_59 = vector.load %arg11[%get3A_57, %get3A_58] : memref<1x4xf32, #tpu.memory_space<vmem>>, vector<1x4xf32>
    %add3A_60 = vector.broadcast %get3A_59 : vector<1x4xf32> to vector<256x4xf32>
    %add3A_61 = arith.addf %dot_general3A_56, %add3A_60 : vector<256x4xf32>
    %swap3A = arith.constant 0 : index
    %swap3A_62 = arith.constant 0 : index
    %swap3A_63 = vector.load %arg12[%swap3A, %swap3A_62] : memref<256x4xf32, #tpu.memory_space<vmem>>, vector<256x4xf32>
    tpu.vector_store %arg12[%swap3A, %swap3A_62], %add3A_61 {strides = array<i32>} : memref<256x4xf32, #tpu.memory_space<vmem>>, vector<256x4xf32>,
    return
  }
  func.func @transform_0(%arg0: i32) -> (i32, i32) {
    %c0_i32 = arith.constant 0 : i32
    %c0_i32_0 = arith.constant 0 : i32
    return %arg0, %c0_i32 : i32, i32
  }
  func.func @transform_1(%arg0: i32) -> (i32, i32) {
    %c0_i32 = arith.constant 0 : i32
    %c0_i32_0 = arith.constant 0 : i32
    %c0_i32_1 = arith.constant 0 : i32
    return %c0_i32, %c0_i32_0 : i32, i32
  }
  func.func @transform_2(%arg0: i32) -> (i32, i32) {
    %c0_i32 = arith.constant 0 : i32
    %c0_i32_0 = arith.constant 0 : i32
    %c0_i32_1 = arith.constant 0 : i32
    return %c0_i32, %c0_i32_0 : i32, i32
  }
  func.func @transform_3(%arg0: i32) -> (i32, i32) {
    %c0_i32 = arith.constant 0 : i32
    %c0_i32_0 = arith.constant 0 : i32
    %c0_i32_1 = arith.constant 0 : i32
    return %c0_i32, %c0_i32_0 : i32, i32
  }
  func.func @transform_4(%arg0: i32) -> (i32, i32) {
    %c0_i32 = arith.constant 0 : i32
    %c0_i32_0 = arith.constant 0 : i32
    %c0_i32_1 = arith.constant 0 : i32
    return %c0_i32, %c0_i32_0 : i32, i32
  }
  func.func @transform_5(%arg0: i32) -> (i32, i32) {
    %c0_i32 = arith.constant 0 : i32
    %c0_i32_0 = arith.constant 0 : i32
    %c0_i32_1 = arith.constant 0 : i32
    return %c0_i32, %c0_i32_0 : i32, i32
  }
  func.func @transform_6(%arg0: i32) -> (i32, i32) {
    %c0_i32 = arith.constant 0 : i32
    %c0_i32_0 = arith.constant 0 : i32
    %c0_i32_1 = arith.constant 0 : i32
    return %c0_i32, %c0_i32_0 : i32, i32
  }
  func.func @transform_7(%arg0: i32) -> (i32, i32) {
    %c0_i32 = arith.constant 0 : i32
    %c0_i32_0 = arith.constant 0 : i32
    %c0_i32_1 = arith.constant 0 : i32
    return %c0_i32, %c0_i32_0 : i32, i32
  }
  func.func @transform_8(%arg0: i32) -> (i32, i32) {
    %c0_i32 = arith.constant 0 : i32
    %c0_i32_0 = arith.constant 0 : i32
    %c0_i32_1 = arith.constant 0 : i32
    return %c0_i32, %c0_i32_0 : i32, i32
  }
  func.func @transform_9(%arg0: i32) -> (i32, i32) {
    %c0_i32 = arith.constant 0 : i32
    %c0_i32_0 = arith.constant 0 : i32
    %c0_i32_1 = arith.constant 0 : i32
    return %c0_i32, %c0_i32_0 : i32, i32
  }
  func.func @transform_10(%arg0: i32) -> (i32, i32) {
    %c0_i32 = arith.constant 0 : i32
    %c0_i32_0 = arith.constant 0 : i32
    %c0_i32_1 = arith.constant 0 : i32
    return %c0_i32, %c0_i32_0 : i32, i32
  }
  func.func @transform_11(%arg0: i32) -> (i32, i32) {
    %c0_i32 = arith.constant 0 : i32
    %c0_i32_0 = arith.constant 0 : i32
    return %arg0, %c0_i32 : i32, i32
  }
}

</mosaic_0001>

<sc_bundles>
// kernel: kernel.10.cloned.1.call-start
scs
__scs_entry_jumppad:
0x0: {  	(pc) =	sbr.rel $0x88, $3  }
0x1: {  	(tag) =	ssettag $0x0;
	lr =	simm.s32 $0x1  }
0x2: {  	[smem:$0x3F89] =	sst lr;
	_ =	strace $0xD0000000  }
0x3: {  	_ = 	snop  }
0x4: {  	_ = 	snop  }
0x5: {  	_ = 	snop  }
0x6: {  	_ = 	snop  }
0x7: {  	_ = 	snop  }
__scs_overlays_trampoline_lowered:
0x8: {  	[smem:$0x3F98] =	sst s0  }
0x9: {  	[smem:$0x3F99] =	sst s1  }
0xa: {  	[smem:$0x3F9A] =	sst s2  }
0xb: {  	[smem:$0x3F9B] =	sst s3  }
0xc: {  	[smem:$0x3F9C] =	sst s4  }
0xd: {  	[smem:$0x3F9D] =	sst s5  }
0xe: {  	[smem:$0x3F9E] =	sst s6  }
0xf: {  	[smem:$0x3F9F] =	sst s7  }
0x10: {  	[smem:$0x3FA0] =	sst s8  }
0x11: {  	[smem:$0x3FA1] =	sst s9;
	s0 =	simm.s32 @!p0 $0x0  }
0x12: {  	s1 =	sld [smem:$0x3F87];
	s0 =	simm.s32 @p0 $0x1  }
0x13: {  	[smem:$0x3FA2] =	sst s0;
	s0 =	simm.s32 @!p1 $0x0  }
0x14: {  	s2 =	sld [smem:$0x3F86];
	s0 =	simm.s32 @p1 $0x1  }
0x15: {  	[smem:$0x3FA3] =	sst s0;
	s0 =	simm.s32 @!p2 $0x0  }
0x16: {  	s3 =	sld [smem:$0x3FDB];
	s0 =	simm.s32 @p2 $0x1  }
0x17: {  	s4 =	simm.s32 $0x1BF5;
	[smem:$0x3FA5] =	sst s0  }
0x18: {  	s0 =	sld [smem:$0x3F88];
	_ =	swait.ge [sflag:s4], $0x0  }
0x19: {  	s7 =	sld [smem:$0x3F89]  }
0x1a: {  	s8 =	sadd.s32 $0xFFFFE003, lr  }
0x1b: {  	s9 =	sadd.s32 $0xFFFFFEF7, lr;
	s5 =	simm.s32 $0xFFFFFFFF;
	p2 =	slt.u32 s8, $0xFFFFF086  }
0x1c: {  	p1 =	slt.u32 s9, $0xF7A;
	s5 =	simm.s32 @!p2 $0x0  }
0x1d: {  	s5 =	simm.s32 @p1 $0x1;
	p0 =	seq.s32 s7, s2  }
0x1e: {  	s7 =	smul.u32 @!p0 $0xF7A, s2;
	p2 =	seq.s32 @!p0 s5, $0x0  }
0x1f: {  	s9 =	smul.u32 $0xF7A, s1;
	s8 =	simm.s32 @!p0 $0x1BF5;
	p2 =	por !p2, p0  }
0x20: {  	[sflag:s8] =	ssyncset.s32 @!p0 $0xFFFFF086;
	s6 =	sadd.s32 @!p0 s3, s7;
	s7 =	simm.s32 @!p0 $0x108  }
0x21: {  	s3 =	sadd.s32 s3, s9;
	s6 =	sadd.s32 @!p0 $0x88, s6;
	s7 =	simm.s32 @p2 $0x1082  }
0x22: {  	[simem:s7], [sflag:s8] =	dma.local @!p0 [hbm:s6], $0xF7A  }
0x23: {  	s9 =	sor.u32 $0xD0000000, s2;
	s6 =	simm.s32 $0x108;
	_ =	swait.ge @!p0 [sflag:s8], $0x0  }
0x24: {  	s3 =	sadd.s32 $0x88, s3;
	s6 =	simm.s32 @!p1 $0x1082;
	[sflag:s4] =	ssyncset.s32 $0xFFFFF086  }
0x25: {  	[simem:s6], [sflag:s4] =	dma.local [hbm:s3], $0xF7A  }
0x26: {  	[smem:$0x3F89] =	sst s1;
	(tag) =	ssettag s2;
	_ =	strace s9  }
0x27: {  	s1 =	sld [smem:$0x3F99]  }
0x28: {  	s2 =	sld [smem:$0x3F9A]  }
0x29: {  	s4 =	sld [smem:$0x3F9C]  }
0x2a: {  	p0 =	seq.s32 s5, $0x0;
	s5 =	sld [smem:$0x3F9D]  }
0x2b: {  	s6 =	sld [smem:$0x3F9E]  }
0x2c: {  	s7 =	sld [smem:$0x3F9F]  }
0x2d: {  	s3 =	simm.s32 $0x108;
	s8 =	sld [smem:$0x3FA0]  }
0x2e: {  	s3 =	simm.s32 @!p0 $0x1082;
	s9 =	sld [smem:$0x3FA1]  }
0x2f: {  	lr =	sadd.s32 s0, s3;
	s0 =	sld [smem:$0x3F98]  }
0x30: {  	s3 =	sld [smem:$0x3F9B]  }
0x31: {  	[smem:$0x3FA4] =	sst s10  }
0x32: {  	s10 =	sld [smem:$0x3FA2];
	_ =	sdelay $0x3  }
0x33: {  	p0 =	seq.s32 s10, $0x1;
	s10 =	sld [smem:$0x3FA4];
	_ =	sdelay $0x3  }
0x34: {  	[smem:$0x3FA4] =	sst s10  }
0x35: {  	s10 =	sld [smem:$0x3FA3];
	_ =	sdelay $0x3  }
0x36: {  	p1 =	seq.s32 s10, $0x1;
	s10 =	sld [smem:$0x3FA4];
	_ =	sdelay $0x3  }
0x37: {  	[smem:$0x3FA4] =	sst s10  }
0x38: {  	s10 =	sld [smem:$0x3FA5]  }
0x39: {  	_ = 	snop;
	(pc) =	sbr.ind lr, $3  }
0x3a: {  	_ = 	snop  }
0x3b: {  	_ = 	snop  }
0x3c: {  	p2 =	seq.s32 s10, $0x1;
	s10 =	sld [smem:$0x3FA4]  }
0x3d: {  	_ =	shalt  }
0x3e: {  	_ =	shalt  }
0x3f: {  	_ =	shalt  }
0x40: {  	_ =	shalt  }
0x41: {  	_ =	shalt  }
0x42: {  	_ =	shalt  }
0x43: {  	_ =	shalt  }
0x44: {  	_ =	shalt  }
0x45: {  	_ =	shalt  }
0x46: {  	_ =	shalt  }
0x47: {  	_ =	shalt  }
0x48: {  	_ =	shalt  }
0x49: {  	_ =	shalt  }
0x4a: {  	_ =	shalt  }
0x4b: {  	_ =	shalt  }
0x4c: {  	_ =	shalt  }
0x4d: {  	_ =	shalt  }
0x4e: {  	_ =	shalt  }
0x4f: {  	_ =	shalt  }
0x50: {  	_ =	shalt  }
0x51: {  	_ =	shalt  }
0x52: {  	_ =	shalt  }
0x53: {  	_ =	shalt  }
0x54: {  	_ =	shalt  }
0x55: {  	_ =	shalt  }
0x56: {  	_ =	shalt  }
0x57: {  	_ =	shalt  }
0x58: {  	_ =	shalt  }
0x59: {  	_ =	shalt  }
0x5a: {  	_ =	shalt  }
0x5b: {  	_ =	shalt  }
0x5c: {  	_ =	shalt  }
0x5d: {  	_ =	shalt  }
0x5e: {  	_ =	shalt  }
0x5f: {  	_ =	shalt  }
0x60: {  	_ =	shalt  }
0x61: {  	_ =	shalt  }
0x62: {  	_ =	shalt  }
0x63: {  	_ =	shalt  }
0x64: {  	_ =	shalt  }
0x65: {  	_ =	shalt  }
0x66: {  	_ =	shalt  }
0x67: {  	_ =	shalt  }
0x68: {  	_ =	shalt  }
0x69: {  	_ =	shalt  }
0x6a: {  	_ =	shalt  }
0x6b: {  	_ =	shalt  }
0x6c: {  	_ =	shalt  }
0x6d: {  	_ =	shalt  }
0x6e: {  	_ =	shalt  }
0x6f: {  	_ =	shalt  }
0x70: {  	_ =	shalt  }
0x71: {  	_ =	shalt  }
0x72: {  	_ =	shalt  }
0x73: {  	_ =	shalt  }
0x74: {  	_ =	shalt  }
0x75: {  	_ =	shalt  }
0x76: {  	_ =	shalt  }
0x77: {  	_ =	shalt  }
0x78: {  	_ =	shalt  }
0x79: {  	_ =	shalt  }
0x7a: {  	_ =	shalt  }
0x7b: {  	_ =	shalt  }
0x7c: {  	_ =	shalt  }
0x7d: {  	_ =	shalt  }
0x7e: {  	_ =	shalt  }
0x7f: {  	_ =	shalt  }
0x80: {  	_ =	shalt  }
0x81: {  	_ =	shalt  }
0x82: {  	_ =	shalt  }
0x83: {  	_ =	shalt  }
0x84: {  	_ =	shalt  }
0x85: {  	_ =	shalt  }
0x86: {  	_ =	shalt  }
0x87: {  	_ =	shalt  }
.Lfunc_end0:
.L_simem_size_0:
called_computation_lowered:
.L_overlay_start_0:
0x88: {  	s2 =	sld [smem:$0x3FD9]  }
0x89: {  	s3 =	sld [smem:$0x3FFE];
	_ =	sdelay $0x1  }
0x8a: {  	s1 =	srdreg.scid  }
0x8b: {  	s0 =	sand.u32 $0x1, s1  }
0x8c: {  	s16 =	sshll.u32 s0, $0xA;
	s2 =	sadd.s32 s3, s2  }
0x8d: {  	s2 =	sadd.s32 s2, s16  }
0x8e: {  	[smem:$0x3FB0] =	sst s2  }
0x8f: {  	_ = 	snop  }
0x90: {  	(tm) =	ssettm $0x1  }
0x91: {  	s17 =	sld [smem:$0x3FFB];
	_ =	sdelay $0x3  }
0x92: {  	_ =	strace s17  }
0x93: {  	s2 =	sld [smem:$0x3FFC];
	_ =	sdelay $0x3  }
0x94: {  	_ =	strace s2  }
0x95: {  	s2 =	sld [smem:$0x3FFD];
	_ =	sdelay $0x3  }
0x96: {  	_ =	strace s2  }
0x97: {  	_ =	strace $0x8FFFFFFF  }
0x98: {  	s18 =	sld [smem:$0x3FDB];
	_ =	sdelay $0x1  }
0x99: {  	s19 =	simm.s32 $_scs_section_size  }
0x9a: {  	s4 =	simm.s32 $_size__tile_overlayer_lowered;
	s5 =	simm.s32 $_tile_overlayer_lowered  }
0x9b: {  	s22 =	simm.s32 $0x1BFF;
	s21 =	sshll.u32 s5, $0x1;
	s2 =	sadd.s32 s19, s18  }
0x9c: {  	s6 =	simm.s32 $0x0;
	s20 =	sshll.u32 s4, $0x1;
	s4 =	sadd.s32 s21, s2  }
0x9d: {  	[timem:s6], [sflag:s22] =	dma.local [hbm:s4], s20  }
0x9e: {  	_ =	swait.ge [sflag:s22], s20  }
0x9f: {  	s3 =	ssub.s32 $0x0, s20;
	[sflag:s22] =	ssyncset.done $0x0  }
0xa0: {  	[sflag:s22] =	ssyncadd.s32 s3;
	_ =	sdelay $0x1  }
0xa1: {  	s23 =	simm.s32 $0x1B8B  }
0xa2: {  	_ =	swait.ge [sflag:s23], $0x1  }
0xa3: {  	[sflag:s23] =	ssyncset.done $0x0  }
0xa4: {  	s25 =	simm.s32 $0x1B8E;
	s24 =	sld [smem:$0x3FFE];
	[sflag:s23] =	ssyncadd.s32 $0xFFFFFFFF  }
0xa5: {  	s26 =	simm.s32 $execute0_lowered;
	[smem:$0x3FD2] =	sst s25  }
0xa6: {  	s4 =	sshll.u32 s26, $0x1;
	_ =	strace $0x80000046;
	[dreg:$0x1] =	wrdreg $0xFFFFFFFF  }
0xa7: {  	s28 =	simm.s32 $_size_execute0_lowered;
	s2 =	sadd.s32 s2, s4;
	[dreg:$0x0] =	wrdreg $0x0  }
0xa8: {  	s4 =	sshll.u32 s28, $0x1;
	[dreg:$0x2] =	wrdreg s2  }
0xa9: {  	[dreg:$0x3] =	wrdreg s4  }
0xaa: {  	[dreg:$0x4] =	wrdreg $0xC0  }
0xab: {  	_ =	task [dreg:s6], $0x5FFFF  }
0xac: {  	[dreg:$0x1] =	wrdreg $0xFFFFFFFF  }
0xad: {  	[dreg:$0x0] =	wrdreg $0x60  }
0xae: {  	[dreg:$0x2] =	wrdreg s24  }
0xaf: {  	[dreg:$0x3] =	wrdreg $0x9  }
0xb0: {  	_ =	task.clear_ibuf [dreg:s6], $0x4FFFF;
	_ =	strace $0x90000046  }
0xb1: {  	s29 =	simm.s32 $0x9;
	_ =	strace $0x80000048  }
0xb2: {  	_ =	swait.ge [sflag:s29], $0x1  }
0xb3: {  	[sflag:s29] =	ssyncadd.s32 $0xFFFFFFFF  }
0xb4: {  	_ =	strace $0x90000048  }
0xb5: {  	_ =	sfence  }
0xb6: {  	s30 =	sld [smem:$0x0];
	_ =	sdelay $0x2  }
0xb7: {  	s31 =	sshll.u32 s1, $0xD;
	s1 =	sshrl.u32 s1, $0x2  }
0xb8: {  	s3 =	sand.u32 $0x4000, s31;
	s1 =	sadd.s32 s1, s30  }
0xb9: {  	s0 =	sor.u32 s3, s0;
	s1 =	sshll.u32 s1, $0x11  }
0xba: {  	s0 =	sor.u32 s1, s0  }
0xbb: {  	s0 =	sadd.s32 $0x8F2B, s0  }
0xbc: {  	[sflag:s0] =	ssyncadd.remote.s32 $0x1  }
0xbd: {  	_ =	sfence.sel $0xFFFF  }
0xbe: {  	[dreg:$0x0] =	wrdreg $0xFFFFFFFF;
	(pc) =	sbr.abs _section_cstart, $3  }
0xbf: {  	[dreg:$0x1] =	wrdreg $0xFFFFFFFF  }
0xc0: {  	_ =	task.clear_ibuf [dreg:s6], $0x2FFFF;
	_ =	strace $0x9FFFFFFF  }
0xc1: {  	(tm) =	ssettm $0x7FFFFFFF  }
tec
execute0_lowered:
.L_overlay_start_1:
0x0: {  	(tag) =	ssettag $0x1  }
0x1: {  	s4 =	rddreg [dreg:$0x0];
	s1 =	srdreg.scid  }
0x2: {  	s0 =	rddreg [dreg:$0x1];
	s2 =	simm.s32 $0x0;
	s9 =	simm.s32 $0x80  }
0x3: {  	s10 =	simm.s32 $0x800;
	s11 =	simm.s32 $0x1;
	s12 =	simm.s32 $0x4800  }
0x4: {  	s13 =	simm.s32 $0x0;
	s3 =	sand.u32 $0x1, s1;
	[smem:$0x7FF] =	sst s2  }
0x5: {  	s1 =	stileid.u32;
	s5 =	sshll.u32 s3, $0x4;
	s31 =	ssub.s32 $0x2, s3  }
0x6: {  	_ =	strace $0x80000047;
	s6 =	sor.u32 s1, s5;
	s8 =	sshrl.u32 s31, $0x1  }
0x7: {  	s3 =	sadd.s32 $0x6E00, s4;
	s7 =	sshll.u32 s6, $0x8;
	s8 =	ssub.s32 s31, s8  }
0x8: {  	s6 =	smul.u32 $0xA000, s6;
	s7 =	sadd.s32 s7, s4;
	s4 =	sadd.s32 $0x2E000, s4  }
0x9: {  	s5 =	sadd.s32 $0x4E00, s7;
	s7 =	smax.u32 s8, $0x1;
	s8 =	simm.s32 $0x2  }
.LBB2_1:
0xa: {  	[tilespmem:s2], [sflag:$0x2] =	stream.linear.gather [hbm4b:s5+s2], $0x500, $0x38;
	[tilespmem:$0x5800] =	vst v63  }
0xb: {  	_ =	swait.ge [sflag:s8], $0x500  }
0xc: {  	[sflag:s8] =	ssyncset.done $0x0  }
0xd: {  	s14 =	simm.s32 $0x0;
	[sflag:s8] =	ssyncadd.s32 $0xFFFFFB00  }
.LBB2_2:
0xe: {  	s15 =	sshll.u32 s14, $0x7  }
0xf: {  	s15 =	sand.u32 $0x3FFFFF80, s15  }
0x10: {  	[tilespmem:s10], [sflag:$0x1] =	stream.indirect.gather [hbm4b:s3+s9], $0x80, s15, s9, $0xb8;
	[tilespmem:$0x5800] =	vst v63  }
0x11: {  	_ =	swait.ge [sflag:s11], $0x4000  }
0x12: {  	[sflag:s11] =	ssyncset.done $0x0  }
0x13: {  	s15 =	simm.s32 $0x900;
	[sflag:s11] =	ssyncadd.s32 $0xFFFFC000  }
0x14: {  	v0 =	vld [tilespmem:s15+$0xFFFFFF80]  }
0x15: {  	v1 =	vld [tilespmem:s15+$0x0]  }
0x16: {  	v2 =	vld [tilespmem:s15+$0x80]  }
0x17: {  	v3 =	vld [tilespmem:s15+$0xFFFFFF00];
	_ =	sdelay $0x4  }
0x18: {  	v1 =	vadd.f32 v2, v1;
	v0 =	vadd.f32 v0, v3;
	_ =	sdelay $0x1  }
0x19: {  	v0 =	vadd.f32 v1, v0;
	_ =	sdelay $0x1  }
0x1a: {  	v0 =	vmul.f32 $2.500000000e-01, v0  }
0x1b: {  	s16 =	simm.s32 $0x0  }
0x1c: {  	[tilespmem:s16+$0x4800] =	vst v0  }
0x1d: {  	v0 =	vld [tilespmem:s15+$0x10]  }
0x1e: {  	v1 =	vld [tilespmem:s15+$0xFFFFFF90]  }
0x1f: {  	v2 =	vld [tilespmem:s15+$0x90]  }
0x20: {  	v3 =	vld [tilespmem:s15+$0xFFFFFF10];
	_ =	sdelay $0x4  }
0x21: {  	v0 =	vadd.f32 v2, v0;
	v1 =	vadd.f32 v1, v3;
	_ =	sdelay $0x1  }
0x22: {  	v0 =	vadd.f32 v0, v1;
	_ =	sdelay $0x1  }
0x23: {  	v0 =	vmul.f32 $2.500000000e-01, v0;
	_ =	sdelay $0x1  }
0x24: {  	[tilespmem:s16+$0x4810] =	vst v0  }
0x25: {  	v0 =	vld [tilespmem:s15+$0xFFFFFF20]  }
0x26: {  	v1 =	vld [tilespmem:s15+$0xFFFFFFA0]  }
0x27: {  	v2 =	vld [tilespmem:s15+$0x20]  }
0x28: {  	v3 =	vld [tilespmem:s15+$0xA0];
	_ =	sdelay $0x4  }
0x29: {  	v0 =	vadd.f32 v1, v0;
	v1 =	vadd.f32 v3, v2;
	_ =	sdelay $0x1  }
0x2a: {  	v0 =	vadd.f32 v1, v0;
	_ =	sdelay $0x1  }
0x2b: {  	v0 =	vmul.f32 $2.500000000e-01, v0;
	_ =	sdelay $0x1  }
0x2c: {  	[tilespmem:s16+$0x4820] =	vst v0  }
0x2d: {  	v0 =	vld [tilespmem:s15+$0xB0]  }
0x2e: {  	v1 =	vld [tilespmem:s15+$0xFFFFFFB0]  }
0x2f: {  	v2 =	vld [tilespmem:s15+$0xFFFFFF30]  }
0x30: {  	v3 =	vld [tilespmem:s15+$0x30];
	_ =	sdelay $0x4  }
0x31: {  	v1 =	vadd.f32 v1, v2;
	v0 =	vadd.f32 v0, v3;
	_ =	sdelay $0x1  }
0x32: {  	v0 =	vadd.f32 v0, v1;
	_ =	sdelay $0x1  }
0x33: {  	v0 =	vmul.f32 $2.500000000e-01, v0;
	_ =	sdelay $0x1  }
0x34: {  	[tilespmem:s16+$0x4830] =	vst v0  }
0x35: {  	v0 =	vld [tilespmem:s15+$0xFFFFFF40]  }
0x36: {  	v1 =	vld [tilespmem:s15+$0xFFFFFFC0]  }
0x37: {  	v2 =	vld [tilespmem:s15+$0x40]  }
0x38: {  	v3 =	vld [tilespmem:s15+$0xC0];
	_ =	sdelay $0x4  }
0x39: {  	v0 =	vadd.f32 v1, v0;
	v1 =	vadd.f32 v3, v2;
	_ =	sdelay $0x1  }
0x3a: {  	v0 =	vadd.f32 v1, v0;
	_ =	sdelay $0x1  }
0x3b: {  	v0 =	vmul.f32 $2.500000000e-01, v0;
	_ =	sdelay $0x1  }
0x3c: {  	[tilespmem:s16+$0x4840] =	vst v0  }
0x3d: {  	v0 =	vld [tilespmem:s15+$0xFFFFFF50]  }
0x3e: {  	v1 =	vld [tilespmem:s15+$0xFFFFFFD0]  }
0x3f: {  	v2 =	vld [tilespmem:s15+$0x50]  }
0x40: {  	v3 =	vld [tilespmem:s15+$0xD0];
	_ =	sdelay $0x4  }
0x41: {  	v0 =	vadd.f32 v1, v0;
	v1 =	vadd.f32 v3, v2;
	_ =	sdelay $0x1  }
0x42: {  	v0 =	vadd.f32 v1, v0;
	_ =	sdelay $0x1  }
0x43: {  	v0 =	vmul.f32 $2.500000000e-01, v0;
	_ =	sdelay $0x1  }
0x44: {  	[tilespmem:s16+$0x4850] =	vst v0  }
0x45: {  	v2 =	vld [tilespmem:s15+$0xFFFFFF60]  }
0x46: {  	v3 =	vld [tilespmem:s15+$0xFFFFFFE0];
	_ =	sdelay $0x1  }
0x47: {  	v0 =	vld [tilespmem:s15+$0xE0]  }
0x48: {  	v1 =	vld [tilespmem:s15+$0x60];
	_ =	sdelay $0x1  }
0x49: {  	s18 =	simm.s32 $0x200;
	s17 =	simm.s32 $0x900;
	v2 =	vadd.f32 v3, v2  }
.LBB2_3:
0x4a: {  	p0 =	sne.s32 s18, $0x3E00  }
0x4b: {  	s15 =	sadd.s32 $0x200, s15;
	s19 =	smov.u32 s18;
	s18 =	sadd.s32 $0x200, s18  }
0x4c: {  	v0 =	vadd.f32 v0, v1;
	_ =	sdelay $0x1  }
0x4d: {  	v0 =	vadd.f32 v0, v2;
	_ =	sdelay $0x1  }
0x4e: {  	v0 =	vmul.f32 $2.500000000e-01, v0;
	_ =	sdelay $0x1  }
0x4f: {  	[tilespmem:s16+$0x4860] =	vst v0  }
0x50: {  	v0 =	vld [tilespmem:s17+$0xFFFFFF70]  }
0x51: {  	v1 =	vld [tilespmem:s17+$0xFFFFFFF0]  }
0x52: {  	v2 =	vld [tilespmem:s17+$0xF0]  }
0x53: {  	v3 =	vld [tilespmem:s17+$0x70];
	s17 =	smov.u32 s15;
	_ =	sdelay $0x2  }
0x54: {  	v0 =	vadd.f32 v1, v0;
	_ =	sdelay $0x1  }
0x55: {  	v1 =	vadd.f32 v2, v3;
	_ =	sdelay $0x1  }
0x56: {  	v0 =	vadd.f32 v1, v0;
	_ =	sdelay $0x1  }
0x57: {  	v0 =	vmul.f32 $2.500000000e-01, v0;
	_ =	sdelay $0x1  }
0x58: {  	[tilespmem:s16+$0x4870] =	vst v0  }
0x59: {  	v0 =	vld [tilespmem:s15+$0xFFFFFF80]  }
0x5a: {  	v1 =	vld [tilespmem:s15+$0x0]  }
0x5b: {  	v2 =	vld [tilespmem:s15+$0x80]  }
0x5c: {  	v3 =	vld [tilespmem:s15+$0xFFFFFF00];
	_ =	sdelay $0x3  }
0x5d: {  	v1 =	vadd.f32 v2, v1  }
0x5e: {  	v0 =	vadd.f32 v0, v3;
	_ =	sdelay $0x1  }
0x5f: {  	v0 =	vadd.f32 v1, v0;
	_ =	sdelay $0x1  }
0x60: {  	v0 =	vmul.f32 $2.500000000e-01, v0  }
0x61: {  	s16 =	sshra.s32 s19, $0x2  }
0x62: {  	[tilespmem:s16+$0x4800] =	vst v0  }
0x63: {  	v0 =	vld [tilespmem:s15+$0x10]  }
0x64: {  	v1 =	vld [tilespmem:s15+$0xFFFFFF90]  }
0x65: {  	v2 =	vld [tilespmem:s15+$0x90]  }
0x66: {  	v3 =	vld [tilespmem:s15+$0xFFFFFF10];
	_ =	sdelay $0x3  }
0x67: {  	v0 =	vadd.f32 v2, v0  }
0x68: {  	v1 =	vadd.f32 v1, v3;
	_ =	sdelay $0x1  }
0x69: {  	v0 =	vadd.f32 v0, v1;
	_ =	sdelay $0x1  }
0x6a: {  	v0 =	vmul.f32 $2.500000000e-01, v0;
	_ =	sdelay $0x1  }
0x6b: {  	[tilespmem:s16+$0x4810] =	vst v0  }
0x6c: {  	v0 =	vld [tilespmem:s15+$0xFFFFFF20]  }
0x6d: {  	v1 =	vld [tilespmem:s15+$0xFFFFFFA0]  }
0x6e: {  	v2 =	vld [tilespmem:s15+$0x20]  }
0x6f: {  	v3 =	vld [tilespmem:s15+$0xA0];
	_ =	sdelay $0x2  }
0x70: {  	v0 =	vadd.f32 v1, v0;
	_ =	sdelay $0x1  }
0x71: {  	v1 =	vadd.f32 v3, v2;
	_ =	sdelay $0x1  }
0x72: {  	v0 =	vadd.f32 v1, v0;
	_ =	sdelay $0x1  }
0x73: {  	v0 =	vmul.f32 $2.500000000e-01, v0;
	_ =	sdelay $0x1  }
0x74: {  	[tilespmem:s16+$0x4820] =	vst v0  }
0x75: {  	v0 =	vld [tilespmem:s15+$0xB0]  }
0x76: {  	v1 =	vld [tilespmem:s15+$0xFFFFFFB0]  }
0x77: {  	v2 =	vld [tilespmem:s15+$0xFFFFFF30]  }
0x78: {  	v3 =	vld [tilespmem:s15+$0x30];
	_ =	sdelay $0x3  }
0x79: {  	v1 =	vadd.f32 v1, v2  }
0x7a: {  	v0 =	vadd.f32 v0, v3;
	_ =	sdelay $0x1  }
0x7b: {  	v0 =	vadd.f32 v0, v1;
	_ =	sdelay $0x1  }
0x7c: {  	v0 =	vmul.f32 $2.500000000e-01, v0;
	_ =	sdelay $0x1  }
0x7d: {  	[tilespmem:s16+$0x4830] =	vst v0  }
0x7e: {  	v0 =	vld [tilespmem:s15+$0xFFFFFF40]  }
0x7f: {  	v1 =	vld [tilespmem:s15+$0xFFFFFFC0]  }
0x80: {  	v2 =	vld [tilespmem:s15+$0x40]  }
0x81: {  	v3 =	vld [tilespmem:s15+$0xC0];
	_ =	sdelay $0x2  }
0x82: {  	v0 =	vadd.f32 v1, v0;
	_ =	sdelay $0x1  }
0x83: {  	v1 =	vadd.f32 v3, v2;
	_ =	sdelay $0x1  }
0x84: {  	v0 =	vadd.f32 v1, v0;
	_ =	sdelay $0x1  }
0x85: {  	v0 =	vmul.f32 $2.500000000e-01, v0;
	_ =	sdelay $0x1  }
0x86: {  	[tilespmem:s16+$0x4840] =	vst v0  }
0x87: {  	v0 =	vld [tilespmem:s15+$0xFFFFFF50]  }
0x88: {  	v1 =	vld [tilespmem:s15+$0xFFFFFFD0]  }
0x89: {  	v2 =	vld [tilespmem:s15+$0x50]  }
0x8a: {  	v3 =	vld [tilespmem:s15+$0xD0];
	_ =	sdelay $0x2  }
0x8b: {  	v0 =	vadd.f32 v1, v0;
	_ =	sdelay $0x1  }
0x8c: {  	v1 =	vadd.f32 v3, v2;
	_ =	sdelay $0x1  }
0x8d: {  	v0 =	vadd.f32 v1, v0;
	_ =	sdelay $0x1  }
0x8e: {  	v0 =	vmul.f32 $2.500000000e-01, v0;
	_ =	sdelay $0x1  }
0x8f: {  	[tilespmem:s16+$0x4850] =	vst v0  }
0x90: {  	v2 =	vld [tilespmem:s15+$0xFFFFFF60]  }
0x91: {  	v3 =	vld [tilespmem:s15+$0xFFFFFFE0]  }
.Ltmp0:
0x92: {  	v0 =	vld [tilespmem:s15+$0xE0];
	(pc) =	sbr.rel @p0 .LBB2_3-.Ltmp0, $2  }
0x93: {  	v1 =	vld [tilespmem:s15+$0x60];
	_ =	sdelay $0x2  }
0x94: {  	v2 =	vadd.f32 v3, v2  }
0x95: {  	_ = 	snop  }
0x96: {  	v0 =	vadd.f32 v0, v1;
	_ =	sdelay $0x1  }
0x97: {  	v0 =	vadd.f32 v0, v2;
	_ =	sdelay $0x1  }
0x98: {  	v0 =	vmul.f32 $2.500000000e-01, v0;
	_ =	sdelay $0x1  }
0x99: {  	[tilespmem:s16+$0x4860] =	vst v0  }
0x9a: {  	v0 =	vld [tilespmem:s17+$0xFFFFFF70]  }
0x9b: {  	v61 =	vld [tilespmem:s17+$0xFFFFFFF0]  }
0x9c: {  	v62 =	vld [tilespmem:s17+$0xF0]  }
0x9d: {  	v3 =	vld [tilespmem:s17+$0x70];
	_ =	sdelay $0x4  }
0x9e: {  	v0 =	vadd.f32 v61, v0;
	v63 =	vadd.f32 v62, v3;
	_ =	sdelay $0x1  }
0x9f: {  	v0 =	vadd.f32 v63, v0  }
0xa0: {  	s15 =	sshll.u32 s14, $0xC  }
0xa1: {  	s14 =	sadd.s32 $0x1, s14;
	s15 =	sadd.s32 s6, s15;
	v0 =	vmul.f32 $2.500000000e-01, v0  }
0xa2: {  	p0 =	sne.s32 s14, $0xA;
	s15 =	sshrl.u32 s15, $0x3  }
.Ltmp1:
0xa3: {  	s15 =	sadd.s32 s4, s15;
	[tilespmem:s16+$0x4870] =	vst v0;
	(pc) =	sbr.rel @p0 .LBB2_2-.Ltmp1, $4  }
0xa4: {  	[hbm4b:s15+s2] =	stream.linear.scatter [tilespmem:s12], [sflag:$0x2], $0x1000, $0x38;
	[tilespmem:$0x5800] =	vst v63  }
0xa5: {  	_ =	swait.ge [sflag:s8], $0x1000  }
0xa6: {  	[sflag:s8] =	ssyncset.done $0x0  }
0xa7: {  	[sflag:s8] =	ssyncadd.s32 $0xFFFFF000  }
0xa8: {  	s13 =	sadd.s32 $0x1, s13  }
0xa9: {  	p0 =	sne.s32 s13, s7  }
.Ltmp2:
0xaa: {  	_ = 	snop;
	(pc) =	sbr.rel @p0 .LBB2_1-.Ltmp2, $1  }
0xab: {  	_ =	sdelay $0x3  }
0xac: {  	_ =	sfence.sel $0x180000  }
0xad: {  	[bflag:$0x0] =	sbarrier.arrive $0xFFFF  }
0xae: {  	p0 =	sne.s32 s1, $0x0;
	_ =	strace $0x90000047  }
0xaf: {  	s0 =	sadd.s32 @!p0 $0x100000, s0;
	[bflag:$0x2] =	sbarrier.arrive $0xFFFF  }
0xb0: {  	[sflag:s0] =	ssyncadd.tile.s32 @!p0 $0x1;
	_ =	shalt  }
.Lfunc_end2:
_tile_overlayer_lowered:
.L_overlay_start_2:
0xb1: {  	(tag) =	ssettag $0x2  }
0xb2: {  	s0 =	rddreg [dreg:$0x0];
	s2 =	stileid.u32  }
0xb3: {  	s1 =	rddreg [dreg:$0x1];
	p0 =	sne.s32 s2, $0x0  }
0xb4: {  	s3 =	rddreg [dreg:$0x2];
	[bflag:$0x3] =	sbarrier.arrive $0xFFFF;
	s2 =	simm.s32 @!p0 $0x1C02  }
0xb5: {  	[timem:s3], [sflag:s2] =	dma.local @!p0 [hbm:s0], s1  }
0xb6: {  	s0 =	simm.s32 @!p0 $0x2  }
0xb7: {  	_ =	swait.ge @!p0 [sflag:s0], s1  }
0xb8: {  	s1 =	ssub.s32 @!p0 $0x0, s1;
	[sflag:s0] =	ssyncset.done @!p0 $0x0  }
0xb9: {  	[sflag:s0] =	ssyncadd.s32 @!p0 s1  }
0xba: {  	[bflag:$0x3] =	sbarrier.arrive $0xFFFF  }
0xbb: {  	_ =	shalt  }

// kernel: kernel.13.cloned.1.call-start
scs
__scs_entry_jumppad:
0x0: {  	(pc) =	sbr.rel $0x88, $3  }
0x1: {  	(tag) =	ssettag $0x0;
	lr =	simm.s32 $0x1  }
0x2: {  	[smem:$0x3F89] =	sst lr;
	_ =	strace $0xD0000000  }
0x3: {  	_ = 	snop  }
0x4: {  	_ = 	snop  }
0x5: {  	_ = 	snop  }
0x6: {  	_ = 	snop  }
0x7: {  	_ = 	snop  }
__scs_overlays_trampoline_lowered:
0x8: {  	[smem:$0x3F98] =	sst s0  }
0x9: {  	[smem:$0x3F99] =	sst s1  }
0xa: {  	[smem:$0x3F9A] =	sst s2  }
0xb: {  	[smem:$0x3F9B] =	sst s3  }
0xc: {  	[smem:$0x3F9C] =	sst s4  }
0xd: {  	[smem:$0x3F9D] =	sst s5  }
0xe: {  	[smem:$0x3F9E] =	sst s6  }
0xf: {  	[smem:$0x3F9F] =	sst s7  }
0x10: {  	[smem:$0x3FA0] =	sst s8  }
0x11: {  	[smem:$0x3FA1] =	sst s9;
	s0 =	simm.s32 @!p0 $0x0  }
0x12: {  	s1 =	sld [smem:$0x3F87];
	s0 =	simm.s32 @p0 $0x1  }
0x13: {  	[smem:$0x3FA2] =	sst s0;
	s0 =	simm.s32 @!p1 $0x0  }
0x14: {  	s2 =	sld [smem:$0x3F86];
	s0 =	simm.s32 @p1 $0x1  }
0x15: {  	[smem:$0x3FA3] =	sst s0;
	s0 =	simm.s32 @!p2 $0x0  }
0x16: {  	s3 =	sld [smem:$0x3FDB];
	s0 =	simm.s32 @p2 $0x1  }
0x17: {  	s4 =	simm.s32 $0x1BF5;
	[smem:$0x3FA5] =	sst s0  }
0x18: {  	s0 =	sld [smem:$0x3F88];
	_ =	swait.ge [sflag:s4], $0x0  }
0x19: {  	s7 =	sld [smem:$0x3F89]  }
0x1a: {  	s8 =	sadd.s32 $0xFFFFE003, lr  }
0x1b: {  	s9 =	sadd.s32 $0xFFFFFEF7, lr;
	s5 =	simm.s32 $0xFFFFFFFF;
	p2 =	slt.u32 s8, $0xFFFFF086  }
0x1c: {  	p1 =	slt.u32 s9, $0xF7A;
	s5 =	simm.s32 @!p2 $0x0  }
0x1d: {  	s5 =	simm.s32 @p1 $0x1;
	p0 =	seq.s32 s7, s2  }
0x1e: {  	s7 =	smul.u32 @!p0 $0xF7A, s2;
	p2 =	seq.s32 @!p0 s5, $0x0  }
0x1f: {  	s9 =	smul.u32 $0xF7A, s1;
	s8 =	simm.s32 @!p0 $0x1BF5;
	p2 =	por !p2, p0  }
0x20: {  	[sflag:s8] =	ssyncset.s32 @!p0 $0xFFFFF086;
	s6 =	sadd.s32 @!p0 s3, s7;
	s7 =	simm.s32 @!p0 $0x108  }
0x21: {  	s3 =	sadd.s32 s3, s9;
	s6 =	sadd.s32 @!p0 $0x88, s6;
	s7 =	simm.s32 @p2 $0x1082  }
0x22: {  	[simem:s7], [sflag:s8] =	dma.local @!p0 [hbm:s6], $0xF7A  }
0x23: {  	s9 =	sor.u32 $0xD0000000, s2;
	s6 =	simm.s32 $0x108;
	_ =	swait.ge @!p0 [sflag:s8], $0x0  }
0x24: {  	s3 =	sadd.s32 $0x88, s3;
	s6 =	simm.s32 @!p1 $0x1082;
	[sflag:s4] =	ssyncset.s32 $0xFFFFF086  }
0x25: {  	[simem:s6], [sflag:s4] =	dma.local [hbm:s3], $0xF7A  }
0x26: {  	[smem:$0x3F89] =	sst s1;
	(tag) =	ssettag s2;
	_ =	strace s9  }
0x27: {  	s1 =	sld [smem:$0x3F99]  }
0x28: {  	s2 =	sld [smem:$0x3F9A]  }
0x29: {  	s4 =	sld [smem:$0x3F9C]  }
0x2a: {  	p0 =	seq.s32 s5, $0x0;
	s5 =	sld [smem:$0x3F9D]  }
0x2b: {  	s6 =	sld [smem:$0x3F9E]  }
0x2c: {  	s7 =	sld [smem:$0x3F9F]  }
0x2d: {  	s3 =	simm.s32 $0x108;
	s8 =	sld [smem:$0x3FA0]  }
0x2e: {  	s3 =	simm.s32 @!p0 $0x1082;
	s9 =	sld [smem:$0x3FA1]  }
0x2f: {  	lr =	sadd.s32 s0, s3;
	s0 =	sld [smem:$0x3F98]  }
0x30: {  	s3 =	sld [smem:$0x3F9B]  }
0x31: {  	[smem:$0x3FA4] =	sst s10  }
0x32: {  	s10 =	sld [smem:$0x3FA2];
	_ =	sdelay $0x3  }
0x33: {  	p0 =	seq.s32 s10, $0x1;
	s10 =	sld [smem:$0x3FA4];
	_ =	sdelay $0x3  }
0x34: {  	[smem:$0x3FA4] =	sst s10  }
0x35: {  	s10 =	sld [smem:$0x3FA3];
	_ =	sdelay $0x3  }
0x36: {  	p1 =	seq.s32 s10, $0x1;
	s10 =	sld [smem:$0x3FA4];
	_ =	sdelay $0x3  }
0x37: {  	[smem:$0x3FA4] =	sst s10  }
0x38: {  	s10 =	sld [smem:$0x3FA5]  }
0x39: {  	_ = 	snop;
	(pc) =	sbr.ind lr, $3  }
0x3a: {  	_ = 	snop  }
0x3b: {  	_ = 	snop  }
0x3c: {  	p2 =	seq.s32 s10, $0x1;
	s10 =	sld [smem:$0x3FA4]  }
0x3d: {  	_ =	shalt  }
0x3e: {  	_ =	shalt  }
0x3f: {  	_ =	shalt  }
0x40: {  	_ =	shalt  }
0x41: {  	_ =	shalt  }
0x42: {  	_ =	shalt  }
0x43: {  	_ =	shalt  }
0x44: {  	_ =	shalt  }
0x45: {  	_ =	shalt  }
0x46: {  	_ =	shalt  }
0x47: {  	_ =	shalt  }
0x48: {  	_ =	shalt  }
0x49: {  	_ =	shalt  }
0x4a: {  	_ =	shalt  }
0x4b: {  	_ =	shalt  }
0x4c: {  	_ =	shalt  }
0x4d: {  	_ =	shalt  }
0x4e: {  	_ =	shalt  }
0x4f: {  	_ =	shalt  }
0x50: {  	_ =	shalt  }
0x51: {  	_ =	shalt  }
0x52: {  	_ =	shalt  }
0x53: {  	_ =	shalt  }
0x54: {  	_ =	shalt  }
0x55: {  	_ =	shalt  }
0x56: {  	_ =	shalt  }
0x57: {  	_ =	shalt  }
0x58: {  	_ =	shalt  }
0x59: {  	_ =	shalt  }
0x5a: {  	_ =	shalt  }
0x5b: {  	_ =	shalt  }
0x5c: {  	_ =	shalt  }
0x5d: {  	_ =	shalt  }
0x5e: {  	_ =	shalt  }
0x5f: {  	_ =	shalt  }
0x60: {  	_ =	shalt  }
0x61: {  	_ =	shalt  }
0x62: {  	_ =	shalt  }
0x63: {  	_ =	shalt  }
0x64: {  	_ =	shalt  }
0x65: {  	_ =	shalt  }
0x66: {  	_ =	shalt  }
0x67: {  	_ =	shalt  }
0x68: {  	_ =	shalt  }
0x69: {  	_ =	shalt  }
0x6a: {  	_ =	shalt  }
0x6b: {  	_ =	shalt  }
0x6c: {  	_ =	shalt  }
0x6d: {  	_ =	shalt  }
0x6e: {  	_ =	shalt  }
0x6f: {  	_ =	shalt  }
0x70: {  	_ =	shalt  }
0x71: {  	_ =	shalt  }
0x72: {  	_ =	shalt  }
0x73: {  	_ =	shalt  }
0x74: {  	_ =	shalt  }
0x75: {  	_ =	shalt  }
0x76: {  	_ =	shalt  }
0x77: {  	_ =	shalt  }
0x78: {  	_ =	shalt  }
0x79: {  	_ =	shalt  }
0x7a: {  	_ =	shalt  }
0x7b: {  	_ =	shalt  }
0x7c: {  	_ =	shalt  }
0x7d: {  	_ =	shalt  }
0x7e: {  	_ =	shalt  }
0x7f: {  	_ =	shalt  }
0x80: {  	_ =	shalt  }
0x81: {  	_ =	shalt  }
0x82: {  	_ =	shalt  }
0x83: {  	_ =	shalt  }
0x84: {  	_ =	shalt  }
0x85: {  	_ =	shalt  }
0x86: {  	_ =	shalt  }
0x87: {  	_ =	shalt  }
.Lfunc_end0:
.L_simem_size_0:
called_computation.1_lowered:
.L_overlay_start_0:
0x88: {  	s2 =	sld [smem:$0x3FD9]  }
0x89: {  	s3 =	sld [smem:$0x3FFE];
	_ =	sdelay $0x1  }
0x8a: {  	s1 =	srdreg.scid  }
0x8b: {  	s0 =	sand.u32 $0x1, s1  }
0x8c: {  	s16 =	sshll.u32 s0, $0xA;
	s2 =	sadd.s32 s3, s2  }
0x8d: {  	s2 =	sadd.s32 s2, s16  }
0x8e: {  	[smem:$0x3FB0] =	sst s2  }
0x8f: {  	_ = 	snop  }
0x90: {  	(tm) =	ssettm $0x1  }
0x91: {  	s17 =	sld [smem:$0x3FFB];
	_ =	sdelay $0x3  }
0x92: {  	_ =	strace s17  }
0x93: {  	s2 =	sld [smem:$0x3FFC];
	_ =	sdelay $0x3  }
0x94: {  	_ =	strace s2  }
0x95: {  	s2 =	sld [smem:$0x3FFD];
	_ =	sdelay $0x3  }
0x96: {  	_ =	strace s2  }
0x97: {  	_ =	strace $0x8FFFFFFF  }
0x98: {  	s18 =	sld [smem:$0x3FDB];
	_ =	sdelay $0x1  }
0x99: {  	s19 =	simm.s32 $_scs_section_size  }
0x9a: {  	s4 =	simm.s32 $_size__tile_overlayer_lowered;
	s5 =	simm.s32 $_tile_overlayer_lowered  }
0x9b: {  	s22 =	simm.s32 $0x1BFF;
	s21 =	sshll.u32 s5, $0x1;
	s2 =	sadd.s32 s19, s18  }
0x9c: {  	s6 =	simm.s32 $0x0;
	s20 =	sshll.u32 s4, $0x1;
	s4 =	sadd.s32 s21, s2  }
0x9d: {  	[timem:s6], [sflag:s22] =	dma.local [hbm:s4], s20  }
0x9e: {  	_ =	swait.ge [sflag:s22], s20  }
0x9f: {  	s3 =	ssub.s32 $0x0, s20;
	[sflag:s22] =	ssyncset.done $0x0  }
0xa0: {  	[sflag:s22] =	ssyncadd.s32 s3;
	_ =	sdelay $0x1  }
0xa1: {  	s23 =	simm.s32 $0x1B8B  }
0xa2: {  	_ =	swait.ge [sflag:s23], $0x1  }
0xa3: {  	[sflag:s23] =	ssyncset.done $0x0  }
0xa4: {  	s25 =	simm.s32 $0x1B8E;
	s24 =	sld [smem:$0x3FFE];
	[sflag:s23] =	ssyncadd.s32 $0xFFFFFFFF  }
0xa5: {  	s26 =	simm.s32 $execute0_lowered;
	[smem:$0x3FD2] =	sst s25  }
0xa6: {  	s4 =	sshll.u32 s26, $0x1;
	_ =	strace $0x80000049;
	[dreg:$0x1] =	wrdreg $0xFFFFFFFF  }
0xa7: {  	s28 =	simm.s32 $_size_execute0_lowered;
	s2 =	sadd.s32 s2, s4;
	[dreg:$0x0] =	wrdreg $0x0  }
0xa8: {  	s4 =	sshll.u32 s28, $0x1;
	[dreg:$0x2] =	wrdreg s2  }
0xa9: {  	[dreg:$0x3] =	wrdreg s4  }
0xaa: {  	[dreg:$0x4] =	wrdreg $0xC0  }
0xab: {  	_ =	task [dreg:s6], $0x5FFFF  }
0xac: {  	[dreg:$0x1] =	wrdreg $0xFFFFFFFF  }
0xad: {  	[dreg:$0x0] =	wrdreg $0x60  }
0xae: {  	[dreg:$0x2] =	wrdreg s24  }
0xaf: {  	[dreg:$0x3] =	wrdreg $0x9  }
0xb0: {  	_ =	task.clear_ibuf [dreg:s6], $0x4FFFF;
	_ =	strace $0x90000049  }
0xb1: {  	s29 =	simm.s32 $0x9;
	_ =	strace $0x8000004B  }
0xb2: {  	_ =	swait.ge [sflag:s29], $0x1  }
0xb3: {  	[sflag:s29] =	ssyncadd.s32 $0xFFFFFFFF  }
0xb4: {  	_ =	strace $0x9000004B  }
0xb5: {  	_ =	sfence  }
0xb6: {  	s30 =	sld [smem:$0x0];
	_ =	sdelay $0x2  }
0xb7: {  	s31 =	sshll.u32 s1, $0xD;
	s1 =	sshrl.u32 s1, $0x2  }
0xb8: {  	s3 =	sand.u32 $0x4000, s31;
	s1 =	sadd.s32 s1, s30  }
0xb9: {  	s0 =	sor.u32 s3, s0;
	s1 =	sshll.u32 s1, $0x11  }
0xba: {  	s0 =	sor.u32 s1, s0  }
0xbb: {  	s0 =	sadd.s32 $0x8F2B, s0  }
0xbc: {  	[sflag:s0] =	ssyncadd.remote.s32 $0x1  }
0xbd: {  	_ =	sfence.sel $0xFFFF  }
0xbe: {  	[dreg:$0x0] =	wrdreg $0xFFFFFFFF;
	(pc) =	sbr.abs _section_cstart, $3  }
0xbf: {  	[dreg:$0x1] =	wrdreg $0xFFFFFFFF  }
0xc0: {  	_ =	task.clear_ibuf [dreg:s6], $0x2FFFF;
	_ =	strace $0x9FFFFFFF  }
0xc1: {  	(tm) =	ssettm $0x7FFFFFFF  }
tec
execute0_lowered:
.L_overlay_start_1:
0x0: {  	(tag) =	ssettag $0x1  }
0x1: {  	s4 =	rddreg [dreg:$0x0];
	s1 =	srdreg.scid  }
0x2: {  	s0 =	rddreg [dreg:$0x1];
	s2 =	simm.s32 $0x0;
	s9 =	simm.s32 $0x80  }
0x3: {  	s10 =	simm.s32 $0x800;
	s11 =	simm.s32 $0x1;
	s12 =	simm.s32 $0x4800  }
0x4: {  	s13 =	simm.s32 $0x0;
	s3 =	sand.u32 $0x1, s1;
	[smem:$0x7FF] =	sst s2  }
0x5: {  	s1 =	stileid.u32;
	s5 =	sshll.u32 s3, $0x4;
	s31 =	ssub.s32 $0x2, s3  }
0x6: {  	_ =	strace $0x8000004A;
	s6 =	sor.u32 s1, s5;
	s8 =	sshrl.u32 s31, $0x1  }
0x7: {  	s3 =	sadd.s32 $0x6E00, s4;
	s7 =	sshll.u32 s6, $0x8;
	s8 =	ssub.s32 s31, s8  }
0x8: {  	s6 =	smul.u32 $0xA000, s6;
	s7 =	sadd.s32 s7, s4;
	s4 =	sadd.s32 $0x2E000, s4  }
0x9: {  	s5 =	sadd.s32 $0x4E00, s7;
	s7 =	smax.u32 s8, $0x1;
	s8 =	simm.s32 $0x2  }
.LBB2_1:
0xa: {  	[tilespmem:s2], [sflag:$0x2] =	stream.linear.gather [hbm4b:s5+s2], $0x500, $0x38;
	[tilespmem:$0x5800] =	vst v63  }
0xb: {  	_ =	swait.ge [sflag:s8], $0x500  }
0xc: {  	[sflag:s8] =	ssyncset.done $0x0  }
0xd: {  	s14 =	simm.s32 $0x0;
	[sflag:s8] =	ssyncadd.s32 $0xFFFFFB00  }
.LBB2_2:
0xe: {  	s15 =	sshll.u32 s14, $0x7  }
0xf: {  	s15 =	sand.u32 $0x3FFFFF80, s15  }
0x10: {  	[tilespmem:s10], [sflag:$0x1] =	stream.indirect.gather [hbm4b:s3+s9], $0x80, s15, s9, $0xb8;
	[tilespmem:$0x5800] =	vst v63  }
0x11: {  	_ =	swait.ge [sflag:s11], $0x4000  }
0x12: {  	[sflag:s11] =	ssyncset.done $0x0  }
0x13: {  	s15 =	simm.s32 $0x900;
	[sflag:s11] =	ssyncadd.s32 $0xFFFFC000  }
0x14: {  	v0 =	vld [tilespmem:s15+$0xFFFFFF80]  }
0x15: {  	v1 =	vld [tilespmem:s15+$0x0]  }
0x16: {  	v2 =	vld [tilespmem:s15+$0x80]  }
0x17: {  	v3 =	vld [tilespmem:s15+$0xFFFFFF00];
	_ =	sdelay $0x4  }
0x18: {  	v1 =	vadd.f32 v2, v1;
	v0 =	vadd.f32 v0, v3;
	_ =	sdelay $0x1  }
0x19: {  	v0 =	vadd.f32 v1, v0;
	_ =	sdelay $0x1  }
0x1a: {  	v0 =	vmul.f32 $2.500000000e-01, v0  }
0x1b: {  	s16 =	simm.s32 $0x0  }
0x1c: {  	[tilespmem:s16+$0x4800] =	vst v0  }
0x1d: {  	v0 =	vld [tilespmem:s15+$0x10]  }
0x1e: {  	v1 =	vld [tilespmem:s15+$0xFFFFFF90]  }
0x1f: {  	v2 =	vld [tilespmem:s15+$0x90]  }
0x20: {  	v3 =	vld [tilespmem:s15+$0xFFFFFF10];
	_ =	sdelay $0x4  }
0x21: {  	v0 =	vadd.f32 v2, v0;
	v1 =	vadd.f32 v1, v3;
	_ =	sdelay $0x1  }
0x22: {  	v0 =	vadd.f32 v0, v1;
	_ =	sdelay $0x1  }
0x23: {  	v0 =	vmul.f32 $2.500000000e-01, v0;
	_ =	sdelay $0x1  }
0x24: {  	[tilespmem:s16+$0x4810] =	vst v0  }
0x25: {  	v0 =	vld [tilespmem:s15+$0xFFFFFF20]  }
0x26: {  	v1 =	vld [tilespmem:s15+$0xFFFFFFA0]  }
0x27: {  	v2 =	vld [tilespmem:s15+$0x20]  }
0x28: {  	v3 =	vld [tilespmem:s15+$0xA0];
	_ =	sdelay $0x4  }
0x29: {  	v0 =	vadd.f32 v1, v0;
	v1 =	vadd.f32 v3, v2;
	_ =	sdelay $0x1  }
0x2a: {  	v0 =	vadd.f32 v1, v0;
	_ =	sdelay $0x1  }
0x2b: {  	v0 =	vmul.f32 $2.500000000e-01, v0;
	_ =	sdelay $0x1  }
0x2c: {  	[tilespmem:s16+$0x4820] =	vst v0  }
0x2d: {  	v0 =	vld [tilespmem:s15+$0xB0]  }
0x2e: {  	v1 =	vld [tilespmem:s15+$0xFFFFFFB0]  }
0x2f: {  	v2 =	vld [tilespmem:s15+$0xFFFFFF30]  }
0x30: {  	v3 =	vld [tilespmem:s15+$0x30];
	_ =	sdelay $0x4  }
0x31: {  	v1 =	vadd.f32 v1, v2;
	v0 =	vadd.f32 v0, v3;
	_ =	sdelay $0x1  }
0x32: {  	v0 =	vadd.f32 v0, v1;
	_ =	sdelay $0x1  }
0x33: {  	v0 =	vmul.f32 $2.500000000e-01, v0;
	_ =	sdelay $0x1  }
0x34: {  	[tilespmem:s16+$0x4830] =	vst v0  }
0x35: {  	v0 =	vld [tilespmem:s15+$0xFFFFFF40]  }
0x36: {  	v1 =	vld [tilespmem:s15+$0xFFFFFFC0]  }
0x37: {  	v2 =	vld [tilespmem:s15+$0x40]  }
0x38: {  	v3 =	vld [tilespmem:s15+$0xC0];
	_ =	sdelay $0x4  }
0x39: {  	v0 =	vadd.f32 v1, v0;
	v1 =	vadd.f32 v3, v2;
	_ =	sdelay $0x1  }
0x3a: {  	v0 =	vadd.f32 v1, v0;
	_ =	sdelay $0x1  }
0x3b: {  	v0 =	vmul.f32 $2.500000000e-01, v0;
	_ =	sdelay $0x1  }
0x3c: {  	[tilespmem:s16+$0x4840] =	vst v0  }
0x3d: {  	v0 =	vld [tilespmem:s15+$0xFFFFFF50]  }
0x3e: {  	v1 =	vld [tilespmem:s15+$0xFFFFFFD0]  }
0x3f: {  	v2 =	vld [tilespmem:s15+$0x50]  }
0x40: {  	v3 =	vld [tilespmem:s15+$0xD0];
	_ =	sdelay $0x4  }
0x41: {  	v0 =	vadd.f32 v1, v0;
	v1 =	vadd.f32 v3, v2;
	_ =	sdelay $0x1  }
0x42: {  	v0 =	vadd.f32 v1, v0;
	_ =	sdelay $0x1  }
0x43: {  	v0 =	vmul.f32 $2.500000000e-01, v0;
	_ =	sdelay $0x1  }
0x44: {  	[tilespmem:s16+$0x4850] =	vst v0  }
0x45: {  	v2 =	vld [tilespmem:s15+$0xFFFFFF60]  }
0x46: {  	v3 =	vld [tilespmem:s15+$0xFFFFFFE0];
	_ =	sdelay $0x1  }
0x47: {  	v0 =	vld [tilespmem:s15+$0xE0]  }
0x48: {  	v1 =	vld [tilespmem:s15+$0x60];
	_ =	sdelay $0x1  }
0x49: {  	s18 =	simm.s32 $0x200;
	s17 =	simm.s32 $0x900;
	v2 =	vadd.f32 v3, v2  }
.LBB2_3:
0x4a: {  	p0 =	sne.s32 s18, $0x3E00  }
0x4b: {  	s15 =	sadd.s32 $0x200, s15;
	s19 =	smov.u32 s18;
	s18 =	sadd.s32 $0x200, s18  }
0x4c: {  	v0 =	vadd.f32 v0, v1;
	_ =	sdelay $0x1  }
0x4d: {  	v0 =	vadd.f32 v0, v2;
	_ =	sdelay $0x1  }
0x4e: {  	v0 =	vmul.f32 $2.500000000e-01, v0;
	_ =	sdelay $0x1  }
0x4f: {  	[tilespmem:s16+$0x4860] =	vst v0  }
0x50: {  	v0 =	vld [tilespmem:s17+$0xFFFFFF70]  }
0x51: {  	v1 =	vld [tilespmem:s17+$0xFFFFFFF0]  }
0x52: {  	v2 =	vld [tilespmem:s17+$0xF0]  }
0x53: {  	v3 =	vld [tilespmem:s17+$0x70];
	s17 =	smov.u32 s15;
	_ =	sdelay $0x2  }
0x54: {  	v0 =	vadd.f32 v1, v0;
	_ =	sdelay $0x1  }
0x55: {  	v1 =	vadd.f32 v2, v3;
	_ =	sdelay $0x1  }
0x56: {  	v0 =	vadd.f32 v1, v0;
	_ =	sdelay $0x1  }
0x57: {  	v0 =	vmul.f32 $2.500000000e-01, v0;
	_ =	sdelay $0x1  }
0x58: {  	[tilespmem:s16+$0x4870] =	vst v0  }
0x59: {  	v0 =	vld [tilespmem:s15+$0xFFFFFF80]  }
0x5a: {  	v1 =	vld [tilespmem:s15+$0x0]  }
0x5b: {  	v2 =	vld [tilespmem:s15+$0x80]  }
0x5c: {  	v3 =	vld [tilespmem:s15+$0xFFFFFF00];
	_ =	sdelay $0x3  }
0x5d: {  	v1 =	vadd.f32 v2, v1  }
0x5e: {  	v0 =	vadd.f32 v0, v3;
	_ =	sdelay $0x1  }
0x5f: {  	v0 =	vadd.f32 v1, v0;
	_ =	sdelay $0x1  }
0x60: {  	v0 =	vmul.f32 $2.500000000e-01, v0  }
0x61: {  	s16 =	sshra.s32 s19, $0x2  }
0x62: {  	[tilespmem:s16+$0x4800] =	vst v0  }
0x63: {  	v0 =	vld [tilespmem:s15+$0x10]  }
0x64: {  	v1 =	vld [tilespmem:s15+$0xFFFFFF90]  }
0x65: {  	v2 =	vld [tilespmem:s15+$0x90]  }
0x66: {  	v3 =	vld [tilespmem:s15+$0xFFFFFF10];
	_ =	sdelay $0x3  }
0x67: {  	v0 =	vadd.f32 v2, v0  }
0x68: {  	v1 =	vadd.f32 v1, v3;
	_ =	sdelay $0x1  }
0x69: {  	v0 =	vadd.f32 v0, v1;
	_ =	sdelay $0x1  }
0x6a: {  	v0 =	vmul.f32 $2.500000000e-01, v0;
	_ =	sdelay $0x1  }
0x6b: {  	[tilespmem:s16+$0x4810] =	vst v0  }
0x6c: {  	v0 =	vld [tilespmem:s15+$0xFFFFFF20]  }
0x6d: {  	v1 =	vld [tilespmem:s15+$0xFFFFFFA0]  }
0x6e: {  	v2 =	vld [tilespmem:s15+$0x20]  }
0x6f: {  	v3 =	vld [tilespmem:s15+$0xA0];
	_ =	sdelay $0x2  }
0x70: {  	v0 =	vadd.f32 v1, v0;
	_ =	sdelay $0x1  }
0x71: {  	v1 =	vadd.f32 v3, v2;
	_ =	sdelay $0x1  }
0x72: {  	v0 =	vadd.f32 v1, v0;
	_ =	sdelay $0x1  }
0x73: {  	v0 =	vmul.f32 $2.500000000e-01, v0;
	_ =	sdelay $0x1  }
0x74: {  	[tilespmem:s16+$0x4820] =	vst v0  }
0x75: {  	v0 =	vld [tilespmem:s15+$0xB0]  }
0x76: {  	v1 =	vld [tilespmem:s15+$0xFFFFFFB0]  }
0x77: {  	v2 =	vld [tilespmem:s15+$0xFFFFFF30]  }
0x78: {  	v3 =	vld [tilespmem:s15+$0x30];
	_ =	sdelay $0x3  }
0x79: {  	v1 =	vadd.f32 v1, v2  }
0x7a: {  	v0 =	vadd.f32 v0, v3;
	_ =	sdelay $0x1  }
0x7b: {  	v0 =	vadd.f32 v0, v1;
	_ =	sdelay $0x1  }
0x7c: {  	v0 =	vmul.f32 $2.500000000e-01, v0;
	_ =	sdelay $0x1  }
0x7d: {  	[tilespmem:s16+$0x4830] =	vst v0  }
0x7e: {  	v0 =	vld [tilespmem:s15+$0xFFFFFF40]  }
0x7f: {  	v1 =	vld [tilespmem:s15+$0xFFFFFFC0]  }
0x80: {  	v2 =	vld [tilespmem:s15+$0x40]  }
0x81: {  	v3 =	vld [tilespmem:s15+$0xC0];
	_ =	sdelay $0x2  }
0x82: {  	v0 =	vadd.f32 v1, v0;
	_ =	sdelay $0x1  }
0x83: {  	v1 =	vadd.f32 v3, v2;
	_ =	sdelay $0x1  }
0x84: {  	v0 =	vadd.f32 v1, v0;
	_ =	sdelay $0x1  }
0x85: {  	v0 =	vmul.f32 $2.500000000e-01, v0;
	_ =	sdelay $0x1  }
0x86: {  	[tilespmem:s16+$0x4840] =	vst v0  }
0x87: {  	v0 =	vld [tilespmem:s15+$0xFFFFFF50]  }
0x88: {  	v1 =	vld [tilespmem:s15+$0xFFFFFFD0]  }
0x89: {  	v2 =	vld [tilespmem:s15+$0x50]  }
0x8a: {  	v3 =	vld [tilespmem:s15+$0xD0];
	_ =	sdelay $0x2  }
0x8b: {  	v0 =	vadd.f32 v1, v0;
	_ =	sdelay $0x1  }
0x8c: {  	v1 =	vadd.f32 v3, v2;
	_ =	sdelay $0x1  }
0x8d: {  	v0 =	vadd.f32 v1, v0;
	_ =	sdelay $0x1  }
0x8e: {  	v0 =	vmul.f32 $2.500000000e-01, v0;
	_ =	sdelay $0x1  }
0x8f: {  	[tilespmem:s16+$0x4850] =	vst v0  }
0x90: {  	v2 =	vld [tilespmem:s15+$0xFFFFFF60]  }
0x91: {  	v3 =	vld [tilespmem:s15+$0xFFFFFFE0]  }
.Ltmp0:
0x92: {  	v0 =	vld [tilespmem:s15+$0xE0];
	(pc) =	sbr.rel @p0 .LBB2_3-.Ltmp0, $2  }
0x93: {  	v1 =	vld [tilespmem:s15+$0x60];
	_ =	sdelay $0x2  }
0x94: {  	v2 =	vadd.f32 v3, v2  }
0x95: {  	_ = 	snop  }
0x96: {  	v0 =	vadd.f32 v0, v1;
	_ =	sdelay $0x1  }
0x97: {  	v0 =	vadd.f32 v0, v2;
	_ =	sdelay $0x1  }
0x98: {  	v0 =	vmul.f32 $2.500000000e-01, v0;
	_ =	sdelay $0x1  }
0x99: {  	[tilespmem:s16+$0x4860] =	vst v0  }
0x9a: {  	v0 =	vld [tilespmem:s17+$0xFFFFFF70]  }
0x9b: {  	v61 =	vld [tilespmem:s17+$0xFFFFFFF0]  }
0x9c: {  	v62 =	vld [tilespmem:s17+$0xF0]  }
0x9d: {  	v3 =	vld [tilespmem:s17+$0x70];
	_ =	sdelay $0x4  }
0x9e: {  	v0 =	vadd.f32 v61, v0;
	v63 =	vadd.f32 v62, v3;
	_ =	sdelay $0x1  }
0x9f: {  	v0 =	vadd.f32 v63, v0  }
0xa0: {  	s15 =	sshll.u32 s14, $0xC  }
0xa1: {  	s14 =	sadd.s32 $0x1, s14;
	s15 =	sadd.s32 s6, s15;
	v0 =	vmul.f32 $2.500000000e-01, v0  }
0xa2: {  	p0 =	sne.s32 s14, $0xA;
	s15 =	sshrl.u32 s15, $0x3  }
.Ltmp1:
0xa3: {  	s15 =	sadd.s32 s4, s15;
	[tilespmem:s16+$0x4870] =	vst v0;
	(pc) =	sbr.rel @p0 .LBB2_2-.Ltmp1, $4  }
0xa4: {  	[hbm4b:s15+s2] =	stream.linear.scatter [tilespmem:s12], [sflag:$0x2], $0x1000, $0x38;
	[tilespmem:$0x5800] =	vst v63  }
0xa5: {  	_ =	swait.ge [sflag:s8], $0x1000  }
0xa6: {  	[sflag:s8] =	ssyncset.done $0x0  }
0xa7: {  	[sflag:s8] =	ssyncadd.s32 $0xFFFFF000  }
0xa8: {  	s13 =	sadd.s32 $0x1, s13  }
0xa9: {  	p0 =	sne.s32 s13, s7  }
.Ltmp2:
0xaa: {  	_ = 	snop;
	(pc) =	sbr.rel @p0 .LBB2_1-.Ltmp2, $1  }
0xab: {  	_ =	sdelay $0x3  }
0xac: {  	_ =	sfence.sel $0x180000  }
0xad: {  	[bflag:$0x0] =	sbarrier.arrive $0xFFFF  }
0xae: {  	p0 =	sne.s32 s1, $0x0;
	_ =	strace $0x9000004A  }
0xaf: {  	s0 =	sadd.s32 @!p0 $0x100000, s0;
	[bflag:$0x2] =	sbarrier.arrive $0xFFFF  }
0xb0: {  	[sflag:s0] =	ssyncadd.tile.s32 @!p0 $0x1;
	_ =	shalt  }
.Lfunc_end2:
_tile_overlayer_lowered:
.L_overlay_start_2:
0xb1: {  	(tag) =	ssettag $0x2  }
0xb2: {  	s0 =	rddreg [dreg:$0x0];
	s2 =	stileid.u32  }
0xb3: {  	s1 =	rddreg [dreg:$0x1];
	p0 =	sne.s32 s2, $0x0  }
0xb4: {  	s3 =	rddreg [dreg:$0x2];
	[bflag:$0x3] =	sbarrier.arrive $0xFFFF;
	s2 =	simm.s32 @!p0 $0x1C02  }
0xb5: {  	[timem:s3], [sflag:s2] =	dma.local @!p0 [hbm:s0], s1  }
0xb6: {  	s0 =	simm.s32 @!p0 $0x2  }
0xb7: {  	_ =	swait.ge @!p0 [sflag:s0], s1  }
0xb8: {  	s1 =	ssub.s32 @!p0 $0x0, s1;
	[sflag:s0] =	ssyncset.done @!p0 $0x0  }
0xb9: {  	[sflag:s0] =	ssyncadd.s32 @!p0 s1  }
0xba: {  	[bflag:$0x3] =	sbarrier.arrive $0xFFFF  }
0xbb: {  	_ =	shalt  }

</sc_bundles>
